<compile_context>
chip_gen: v7x
topology: tpu7x:2x2x1
jax: 0.10.2.dev20260603
libtpu: 0.0.44.dev20260713+nightly
codegen_flags: <defaults>
</compile_context>

<pallas_src>
import functools

import jax
import jax.numpy as jnp
from jax import lax
from jax.experimental import pallas as pl

B = 2
S = 2048
NUM_OPS = 64
NUM_BIND = 128
SIG_DIM = 256
RULE_DIM = 256
UB = NUM_OPS * NUM_BIND

TILE_T = 256


def _body(qu_ref, qb_ref, qs_ref, usage_ref, usage_t_ref, ema_t_ref,
          pd_ref, ps_ref,
          delta_ref, sig_ref, conf_ref, w_ref, *, precision):
    qb = qb_ref[...]
    qu = qu_ref[...]
    mask = (usage_ref[...] > 0.0).astype(jnp.float32)

    mask_t = (usage_t_ref[...] > 0.0).astype(jnp.float32)
    cat = jnp.concatenate([mask_t, ema_t_ref[...] * mask_t], axis=1)
    r = lax.dot_general(qb, cat, (((1,), (0,)), ((), ())),
                        precision=lax.Precision.HIGHEST,
                        preferred_element_type=jnp.float32)
    denom = jnp.sum(qu * r[:, :NUM_OPS], axis=1, keepdims=True)
    base = jnp.sum(qu * r[:, NUM_OPS:], axis=1, keepdims=True)
    scale = jnp.where(denom > 0.0,
                      1.0 / jnp.maximum(denom, 1e-6),
                      jnp.zeros_like(denom))

    for u in range(NUM_OPS):
        w_ref[:, u * NUM_BIND:(u + 1) * NUM_BIND] = (
            qu_ref[:, u:u + 1] * qb * mask[u:u + 1, :])
    w = w_ref[...]

    d = lax.dot_general(w, pd_ref[...], (((1,), (0,)), ((), ())),
                        precision=precision,
                        preferred_element_type=jnp.float32)
    s = lax.dot_general(w, ps_ref[...], (((1,), (0,)), ((), ())),
                        precision=precision,
                        preferred_element_type=jnp.float32)

    d = d * scale
    s = s * scale
    base = base * scale
    delta_ref[...] = d
    sig_ref[...] = s
    w_ref[...] = w * scale

    qs = qs_ref[...]
    qs_norm = jnp.sqrt(jnp.sum(qs * qs, axis=1, keepdims=True))
    qsn = qs / jnp.maximum(qs_norm, 1e-12)
    ms = s + 1e-6
    ms_norm = jnp.sqrt(jnp.sum(ms * ms, axis=1, keepdims=True))
    msn = ms / jnp.maximum(ms_norm, 1e-12)
    qsn_n = jnp.sqrt(jnp.sum(qsn * qsn, axis=1, keepdims=True))
    msn_n = jnp.sqrt(jnp.sum(msn * msn, axis=1, keepdims=True))
    cos = (jnp.sum(qsn * msn, axis=1, keepdims=True)
           / jnp.maximum(qsn_n * msn_n, 1e-8))
    conf = jnp.clip(base * 0.5 * (1.0 + cos), 0.0, 1.0)
    conf_ref[...] = jnp.broadcast_to(conf, (conf.shape[0], 8))


@functools.partial(jax.jit, static_argnames=("precision", "interpret"))
def _retrieve(q_u, q_b, q_sigma, delta_rule_proto, signature_proto,
              usage_count, ema_conf, precision=lax.Precision.DEFAULT,
              interpret=False):
    T = B * S
    qu2 = q_u.reshape(T, NUM_OPS)
    qb2 = q_b.reshape(T, NUM_BIND)
    qs2 = q_sigma.reshape(T, SIG_DIM)
    pd2 = delta_rule_proto.reshape(UB, RULE_DIM)
    ps2 = signature_proto.reshape(UB, SIG_DIM)
    usage_t = usage_count.T
    ema_t = ema_conf.T

    grid = (T // TILE_T,)
    tok = lambda i: (i, 0)
    rep = lambda i: (0, 0)
    out = pl.pallas_call(
        functools.partial(_body, precision=precision),
        grid=grid,
        in_specs=[
            pl.BlockSpec((TILE_T, NUM_OPS), tok),
            pl.BlockSpec((TILE_T, NUM_BIND), tok),
            pl.BlockSpec((TILE_T, SIG_DIM), tok),
            pl.BlockSpec((NUM_OPS, NUM_BIND), rep),
            pl.BlockSpec((NUM_BIND, NUM_OPS), rep),
            pl.BlockSpec((NUM_BIND, NUM_OPS), rep),
            pl.BlockSpec((UB, RULE_DIM), rep),
            pl.BlockSpec((UB, SIG_DIM), rep),
        ],
        out_specs=[
            pl.BlockSpec((TILE_T, RULE_DIM), tok),
            pl.BlockSpec((TILE_T, SIG_DIM), tok),
            pl.BlockSpec((TILE_T, 8), tok),
            pl.BlockSpec((TILE_T, UB), tok),
        ],
        out_shape=[
            jax.ShapeDtypeStruct((T, RULE_DIM), jnp.float32),
            jax.ShapeDtypeStruct((T, SIG_DIM), jnp.float32),
            jax.ShapeDtypeStruct((T, 8), jnp.float32),
            jax.ShapeDtypeStruct((T, UB), jnp.float32),
        ],
        interpret=interpret,
    )(qu2, qb2, qs2, usage_count, usage_t, ema_t, pd2, ps2)
    d, s, c, w = out
    return (d.reshape(B, S, RULE_DIM),
            s.reshape(B, S, SIG_DIM),
            c[:, :1].reshape(B, S, 1),
            w.reshape(B, S, NUM_OPS, NUM_BIND))


def kernel(q_u, q_b, q_sigma, delta_rule_proto, signature_proto,
           usage_count, ema_conf):
    return _retrieve(q_u, q_b, q_sigma, delta_rule_proto, signature_proto,
                     usage_count, ema_conf)

# --- scband reference (transcript-rebuilt; emitter-appended) ---
"""Pipeline reference for scband-rule-memory-62758062129605 (READ-ONLY COPY).

The authoritative reference and input builder live on the scoring server;
editing this copy changes nothing except your own understanding.
"""

import jax, jax.numpy as jnp
import numpy as np

B = 2
S = 2048
NUM_OPS = 64
NUM_BIND = 128
SIG_DIM = 256
RULE_DIM = 256


def setup_inputs(seed: int = 0) -> dict:
    key = jax.random.key(seed)
    k1, k2, k3, k4, k5, k6, k7 = jax.random.split(key, 7)
    q_u = jax.random.uniform(k1, (B, S, NUM_OPS), dtype=jnp.float32)
    q_b = jax.random.uniform(k2, (B, S, NUM_BIND), dtype=jnp.float32)
    q_sigma = jax.random.normal(k3, (B, S, SIG_DIM), dtype=jnp.float32)
    # module buffers (registered as persistent buffers in the torch module);
    # populated with realistic non-zero state so retrieve() does real work
    delta_rule_proto = jax.random.normal(k4, (NUM_OPS, NUM_BIND, RULE_DIM), dtype=jnp.float32)
    signature_proto = jax.random.normal(k5, (NUM_OPS, NUM_BIND, SIG_DIM), dtype=jnp.float32)
    usage_count = jax.random.uniform(k6, (NUM_OPS, NUM_BIND), dtype=jnp.float32) * 10.0
    ema_conf = jax.random.uniform(k7, (NUM_OPS, NUM_BIND), dtype=jnp.float32)
    return {
        'q_u': q_u,
        'q_b': q_b,
        'q_sigma': q_sigma,
        'delta_rule_proto': delta_rule_proto,
        'signature_proto': signature_proto,
        'usage_count': usage_count,
        'ema_conf': ema_conf,
    }


def reference(q_u, q_b, q_sigma, delta_rule_proto, signature_proto, usage_count, ema_conf):
    # RuleMemory.retrieve with retrieve_temperature == 1.0 (config defaults)
    joint = q_u[..., :, None] * q_b[..., None, :]  # [..., U, Bnd]
    valid_cells = (usage_count > 0).astype(joint.dtype)
    weights = joint * valid_cells
    denom = jnp.sum(weights, axis=(-2, -1), keepdims=True)
    weights = jnp.where(denom > 0, weights / jnp.maximum(denom, 1e-06), jnp.zeros_like(weights))
    memory_delta_rule = jnp.einsum('...ub,ubr->...r', weights, delta_rule_proto)
    memory_signature = jnp.einsum('...ub,ubs->...s', weights, signature_proto)
    base_conf = jnp.einsum('...ub,ub->...', weights, ema_conf)[..., None]
    # F.normalize(q_sigma, dim=-1) with eps=1e-12
    qs = q_sigma / jnp.maximum(jnp.linalg.norm(q_sigma, axis=-1, keepdims=True), 1e-12)
    ms = memory_signature + 1e-06
    ms = ms / jnp.maximum(jnp.linalg.norm(ms, axis=-1, keepdims=True), 1e-12)
    # F.cosine_similarity(qs, ms, dim=-1) with eps=1e-8
    cos = jnp.sum(qs * ms, axis=-1) / jnp.maximum(
        jnp.linalg.norm(qs, axis=-1) * jnp.linalg.norm(ms, axis=-1), 1e-08)
    signature_agreement = 0.5 * (1.0 + cos)[..., None]
    memory_conf = jnp.clip(base_conf * signature_agreement, 0.0, 1.0)
    return (memory_delta_rule, memory_signature, memory_conf, weights)

if __name__ == "__main__":
    import jax
    _d = setup_inputs()
    print(jax.jit(kernel)(*tuple(_d.values())))

</pallas_src>

<mosaic_0001>
module attributes {stable_mosaic.version = 14 : i64} {
  func.func @_body(%arg0: i32, %arg1: memref<256x64xf32, #tpu.memory_space<vmem>>, %arg2: memref<256x128xf32, #tpu.memory_space<vmem>>, %arg3: memref<256x256xf32, #tpu.memory_space<vmem>>, %arg4: memref<64x128xf32, #tpu.memory_space<vmem>>, %arg5: memref<128x64xf32, #tpu.memory_space<vmem>>, %arg6: memref<128x64xf32, #tpu.memory_space<vmem>>, %arg7: memref<8192x256xf32, #tpu.memory_space<vmem>>, %arg8: memref<8192x256xf32, #tpu.memory_space<vmem>>, %arg9: memref<256x256xf32, #tpu.memory_space<vmem>>, %arg10: memref<256x256xf32, #tpu.memory_space<vmem>>, %arg11: memref<256x8xf32, #tpu.memory_space<vmem>>, %arg12: memref<256x8192xf32, #tpu.memory_space<vmem>>) attributes {dimension_semantics = [#tpu.dimension_semantics<arbitrary>], iteration_bounds = array<i64: 16>, scalar_prefetch = 0 : i64, scratch_operands = 0 : i64, tpu.core_type = #tpu.core_type<tc>, window_params = [{transform_indices = @transform_0, window_bounds = array<i64: 256, 64>}, {transform_indices = @transform_1, window_bounds = array<i64: 256, 128>}, {transform_indices = @transform_2, window_bounds = array<i64: 256, 256>}, {pipeline_mode = #tpu.pipeline_mode<synchronous>, transform_indices = @transform_3, window_bounds = array<i64: 64, 128>}, {pipeline_mode = #tpu.pipeline_mode<synchronous>, transform_indices = @transform_4, window_bounds = array<i64: 128, 64>}, {pipeline_mode = #tpu.pipeline_mode<synchronous>, transform_indices = @transform_5, window_bounds = array<i64: 128, 64>}, {pipeline_mode = #tpu.pipeline_mode<synchronous>, transform_indices = @transform_6, window_bounds = array<i64: 8192, 256>}, {pipeline_mode = #tpu.pipeline_mode<synchronous>, transform_indices = @transform_7, window_bounds = array<i64: 8192, 256>}, {transform_indices = @transform_8, window_bounds = array<i64: 256, 256>}, {transform_indices = @transform_9, window_bounds = array<i64: 256, 256>}, {transform_indices = @transform_10, window_bounds = array<i64: 256, 8>}, {transform_indices = @transform_11, window_bounds = array<i64: 256, 8192>}]} {
    %get3A = arith.constant 0 : index
    %get3A_0 = arith.constant 0 : index
    %get3A_1 = vector.load %arg2[%get3A, %get3A_0] : memref<256x128xf32, #tpu.memory_space<vmem>>, vector<256x128xf32>
    %get3A_2 = arith.constant 0 : index
    %get3A_3 = arith.constant 0 : index
    %get3A_4 = vector.load %arg1[%get3A_2, %get3A_3] : memref<256x64xf32, #tpu.memory_space<vmem>>, vector<256x64xf32>
    %get3A_5 = arith.constant 0 : index
    %get3A_6 = arith.constant 0 : index
    %get3A_7 = vector.load %arg4[%get3A_5, %get3A_6] : memref<64x128xf32, #tpu.memory_space<vmem>>, vector<64x128xf32>
    %gt3A = arith.constant 0.000000e+00 : f32
    %gt3A_8 = vector.broadcast %gt3A : f32 to vector<64x128xf32>
    %gt3A_9 = arith.cmpf ogt, %get3A_7, %gt3A_8 : vector<64x128xf32>
    %convert_element_type3A = arith.extui %gt3A_9 : vector<64x128xi1> to vector<64x128xi32>
    %convert_element_type3A_10 = arith.sitofp %convert_element_type3A : vector<64x128xi32> to vector<64x128xf32>
    %get3A_11 = arith.constant 0 : index
    %get3A_12 = arith.constant 0 : index
    %get3A_13 = vector.load %arg5[%get3A_11, %get3A_12] : memref<128x64xf32, #tpu.memory_space<vmem>>, vector<128x64xf32>
    %gt3A_14 = arith.constant 0.000000e+00 : f32
    %gt3A_15 = vector.broadcast %gt3A_14 : f32 to vector<128x64xf32>
    %gt3A_16 = arith.cmpf ogt, %get3A_13, %gt3A_15 : vector<128x64xf32>
    %convert_element_type3A_17 = arith.extui %gt3A_16 : vector<128x64xi1> to vector<128x64xi32>
    %convert_element_type3A_18 = arith.sitofp %convert_element_type3A_17 : vector<128x64xi32> to vector<128x64xf32>
    %get3A_19 = arith.constant 0 : index
    %get3A_20 = arith.constant 0 : index
    %get3A_21 = vector.load %arg6[%get3A_19, %get3A_20] : memref<128x64xf32, #tpu.memory_space<vmem>>, vector<128x64xf32>
    %mul3A = arith.mulf %get3A_21, %convert_element_type3A_18 : vector<128x64xf32>
    %concatenate3A = tpu.concatenate %convert_element_type3A_18, %mul3A in 1 : vector<128x64xf32>, vector<128x64xf32> -> vector<128x128xf32>
    %dot_general3A = arith.constant dense<0.000000e+00> : vector<256x128xf32>
    %dot_general3A_22 = tpu.matmul %get3A_1, %concatenate3A, %dot_general3A {dimension_numbers = #tpu.dot_dimension_numbers<[1], [0], [0], [1], [0, 0, 1, 1], [], []>, precision = #tpu.contract_precision<fp32>, transpose_lhs_hint = false} : vector<256x128xf32>, vector<128x128xf32>, vector<256x128xf32> -> vector<256x128xf32>
    %slice3A = vector.extract_strided_slice %dot_general3A_22 {offsets = [0, 0], sizes = [256, 64], strides = [1, 1]} : vector<256x128xf32> to vector<256x64xf32>
    %mul3A_23 = arith.mulf %get3A_4, %slice3A : vector<256x64xf32>
    %reduce_sum3A = arith.constant dense<0.000000e+00> : vector<256xf32>
    %reduce_sum3A_24 = vector.multi_reduction <add>, %mul3A_23, %reduce_sum3A [1] : vector<256x64xf32> to vector<256xf32>
    %broadcast_in_dim3A = vector.shape_cast %reduce_sum3A_24 : vector<256xf32> to vector<256x1xf32>
    %slice3A_25 = vector.extract_strided_slice %dot_general3A_22 {offsets = [0, 64], sizes = [256, 64], strides = [1, 1]} : vector<256x128xf32> to vector<256x64xf32>
    %mul3A_26 = arith.mulf %get3A_4, %slice3A_25 : vector<256x64xf32>
    %reduce_sum3A_27 = arith.constant dense<0.000000e+00> : vector<256xf32>
    %reduce_sum3A_28 = vector.multi_reduction <add>, %mul3A_26, %reduce_sum3A_27 [1] : vector<256x64xf32> to vector<256xf32>
    %broadcast_in_dim3A_29 = vector.shape_cast %reduce_sum3A_28 : vector<256xf32> to vector<256x1xf32>
    %gt3A_30 = arith.constant 0.000000e+00 : f32
    %gt3A_31 = vector.broadcast %gt3A_30 : f32 to vector<256x1xf32>
    %gt3A_32 = arith.cmpf ogt, %broadcast_in_dim3A, %gt3A_31 : vector<256x1xf32>
    %max3A = arith.constant 9.99999997E-7 : f32
    %max3A_33 = vector.broadcast %max3A : f32 to vector<256x1xf32>
    %max3A_34 = arith.maximumf %broadcast_in_dim3A, %max3A_33 : vector<256x1xf32>
    %div3A = arith.constant 1.000000e+00 : f32
    %div3A_35 = vector.broadcast %div3A : f32 to vector<256x1xf32>
    %div3A_36 = arith.divf %div3A_35, %max3A_34 : vector<256x1xf32>
    %broadcast_in_dim3A_37 = arith.constant 0.000000e+00 : f32
    %broadcast_in_dim3A_38 = vector.broadcast %broadcast_in_dim3A_37 : f32 to vector<256x1xf32>
    %select_n3A = arith.select %gt3A_32, %div3A_36, %broadcast_in_dim3A_38 : vector<256x1xi1>, vector<256x1xf32>
    %get3A_39 = arith.constant 0 : index
    %get3A_40 = arith.constant 0 : index
    %get3A_41 = vector.load %arg1[%get3A_39, %get3A_40] : memref<256x64xf32, #tpu.memory_space<vmem>>, vector<256x1xf32>
    %mul3A_42 = vector.broadcast %get3A_41 : vector<256x1xf32> to vector<256x128xf32>
    %mul3A_43 = arith.mulf %mul3A_42, %get3A_1 : vector<256x128xf32>
    %slice3A_44 = vector.extract_strided_slice %convert_element_type3A_10 {offsets = [0, 0], sizes = [1, 128], strides = [1, 1]} : vector<64x128xf32> to vector<1x128xf32>
    %mul3A_45 = vector.broadcast %slice3A_44 : vector<1x128xf32> to vector<256x128xf32>
    %mul3A_46 = arith.mulf %mul3A_43, %mul3A_45 : vector<256x128xf32>
    %swap3A = arith.constant 0 : index
    %swap3A_47 = arith.constant 0 : index
    %swap3A_48 = vector.load %arg12[%swap3A, %swap3A_47] : memref<256x8192xf32, #tpu.memory_space<vmem>>, vector<256x128xf32>
    tpu.vector_store %arg12[%swap3A, %swap3A_47], %mul3A_46 {strides = array<i32>} : memref<256x8192xf32, #tpu.memory_space<vmem>>, vector<256x128xf32>,
    %get3A_49 = arith.constant 0 : index
    %get3A_50 = arith.constant 1 : index
    %get3A_51 = vector.load %arg1[%get3A_49, %get3A_50] : memref<256x64xf32, #tpu.memory_space<vmem>>, vector<256x1xf32>
    %mul3A_52 = vector.broadcast %get3A_51 : vector<256x1xf32> to vector<256x128xf32>
    %mul3A_53 = arith.mulf %mul3A_52, %get3A_1 : vector<256x128xf32>
    %slice3A_54 = vector.extract_strided_slice %convert_element_type3A_10 {offsets = [1, 0], sizes = [1, 128], strides = [1, 1]} : vector<64x128xf32> to vector<1x128xf32>
    %mul3A_55 = vector.broadcast %slice3A_54 : vector<1x128xf32> to vector<256x128xf32>
    %mul3A_56 = arith.mulf %mul3A_53, %mul3A_55 : vector<256x128xf32>
    %swap3A_57 = arith.constant 0 : index
    %swap3A_58 = arith.constant 128 : index
    %swap3A_59 = vector.load %arg12[%swap3A_57, %swap3A_58] : memref<256x8192xf32, #tpu.memory_space<vmem>>, vector<256x128xf32>
    tpu.vector_store %arg12[%swap3A_57, %swap3A_58], %mul3A_56 {strides = array<i32>} : memref<256x8192xf32, #tpu.memory_space<vmem>>, vector<256x128xf32>,
    %get3A_60 = arith.constant 0 : index
    %get3A_61 = arith.constant 2 : index
    %get3A_62 = vector.load %arg1[%get3A_60, %get3A_61] : memref<256x64xf32, #tpu.memory_space<vmem>>, vector<256x1xf32>
    %mul3A_63 = vector.broadcast %get3A_62 : vector<256x1xf32> to vector<256x128xf32>
    %mul3A_64 = arith.mulf %mul3A_63, %get3A_1 : vector<256x128xf32>
    %slice3A_65 = vector.extract_strided_slice %convert_element_type3A_10 {offsets = [2, 0], sizes = [1, 128], strides = [1, 1]} : vector<64x128xf32> to vector<1x128xf32>
    %mul3A_66 = vector.broadcast %slice3A_65 : vector<1x128xf32> to vector<256x128xf32>
    %mul3A_67 = arith.mulf %mul3A_64, %mul3A_66 : vector<256x128xf32>
    %swap3A_68 = arith.constant 0 : index
    %swap3A_69 = arith.constant 256 : index
    %swap3A_70 = vector.load %arg12[%swap3A_68, %swap3A_69] : memref<256x8192xf32, #tpu.memory_space<vmem>>, vector<256x128xf32>
    tpu.vector_store %arg12[%swap3A_68, %swap3A_69], %mul3A_67 {strides = array<i32>} : memref<256x8192xf32, #tpu.memory_space<vmem>>, vector<256x128xf32>,
    %get3A_71 = arith.constant 0 : index
    %get3A_72 = arith.constant 3 : index
    %get3A_73 = vector.load %arg1[%get3A_71, %get3A_72] : memref<256x64xf32, #tpu.memory_space<vmem>>, vector<256x1xf32>
    %mul3A_74 = vector.broadcast %get3A_73 : vector<256x1xf32> to vector<256x128xf32>
    %mul3A_75 = arith.mulf %mul3A_74, %get3A_1 : vector<256x128xf32>
    %slice3A_76 = vector.extract_strided_slice %convert_element_type3A_10 {offsets = [3, 0], sizes = [1, 128], strides = [1, 1]} : vector<64x128xf32> to vector<1x128xf32>
    %mul3A_77 = vector.broadcast %slice3A_76 : vector<1x128xf32> to vector<256x128xf32>
    %mul3A_78 = arith.mulf %mul3A_75, %mul3A_77 : vector<256x128xf32>
    %swap3A_79 = arith.constant 0 : index
    %swap3A_80 = arith.constant 384 : index
    %swap3A_81 = vector.load %arg12[%swap3A_79, %swap3A_80] : memref<256x8192xf32, #tpu.memory_space<vmem>>, vector<256x128xf32>
    tpu.vector_store %arg12[%swap3A_79, %swap3A_80], %mul3A_78 {strides = array<i32>} : memref<256x8192xf32, #tpu.memory_space<vmem>>, vector<256x128xf32>,
    %get3A_82 = arith.constant 0 : index
    %get3A_83 = arith.constant 4 : index
    %get3A_84 = vector.load %arg1[%get3A_82, %get3A_83] : memref<256x64xf32, #tpu.memory_space<vmem>>, vector<256x1xf32>
    %mul3A_85 = vector.broadcast %get3A_84 : vector<256x1xf32> to vector<256x128xf32>
    %mul3A_86 = arith.mulf %mul3A_85, %get3A_1 : vector<256x128xf32>
    %slice3A_87 = vector.extract_strided_slice %convert_element_type3A_10 {offsets = [4, 0], sizes = [1, 128], strides = [1, 1]} : vector<64x128xf32> to vector<1x128xf32>
    %mul3A_88 = vector.broadcast %slice3A_87 : vector<1x128xf32> to vector<256x128xf32>
    %mul3A_89 = arith.mulf %mul3A_86, %mul3A_88 : vector<256x128xf32>
    %swap3A_90 = arith.constant 0 : index
    %swap3A_91 = arith.constant 512 : index
    %swap3A_92 = vector.load %arg12[%swap3A_90, %swap3A_91] : memref<256x8192xf32, #tpu.memory_space<vmem>>, vector<256x128xf32>
    tpu.vector_store %arg12[%swap3A_90, %swap3A_91], %mul3A_89 {strides = array<i32>} : memref<256x8192xf32, #tpu.memory_space<vmem>>, vector<256x128xf32>,
    %get3A_93 = arith.constant 0 : index
    %get3A_94 = arith.constant 5 : index
    %get3A_95 = vector.load %arg1[%get3A_93, %get3A_94] : memref<256x64xf32, #tpu.memory_space<vmem>>, vector<256x1xf32>
    %mul3A_96 = vector.broadcast %get3A_95 : vector<256x1xf32> to vector<256x128xf32>
    %mul3A_97 = arith.mulf %mul3A_96, %get3A_1 : vector<256x128xf32>
    %slice3A_98 = vector.extract_strided_slice %convert_element_type3A_10 {offsets = [5, 0], sizes = [1, 128], strides = [1, 1]} : vector<64x128xf32> to vector<1x128xf32>
    %mul3A_99 = vector.broadcast %slice3A_98 : vector<1x128xf32> to vector<256x128xf32>
    %mul3A_100 = arith.mulf %mul3A_97, %mul3A_99 : vector<256x128xf32>
    %swap3A_101 = arith.constant 0 : index
    %swap3A_102 = arith.constant 640 : index
    %swap3A_103 = vector.load %arg12[%swap3A_101, %swap3A_102] : memref<256x8192xf32, #tpu.memory_space<vmem>>, vector<256x128xf32>
    tpu.vector_store %arg12[%swap3A_101, %swap3A_102], %mul3A_100 {strides = array<i32>} : memref<256x8192xf32, #tpu.memory_space<vmem>>, vector<256x128xf32>,
    %get3A_104 = arith.constant 0 : index
    %get3A_105 = arith.constant 6 : index
    %get3A_106 = vector.load %arg1[%get3A_104, %get3A_105] : memref<256x64xf32, #tpu.memory_space<vmem>>, vector<256x1xf32>
    %mul3A_107 = vector.broadcast %get3A_106 : vector<256x1xf32> to vector<256x128xf32>
    %mul3A_108 = arith.mulf %mul3A_107, %get3A_1 : vector<256x128xf32>
    %slice3A_109 = vector.extract_strided_slice %convert_element_type3A_10 {offsets = [6, 0], sizes = [1, 128], strides = [1, 1]} : vector<64x128xf32> to vector<1x128xf32>
    %mul3A_110 = vector.broadcast %slice3A_109 : vector<1x128xf32> to vector<256x128xf32>
    %mul3A_111 = arith.mulf %mul3A_108, %mul3A_110 : vector<256x128xf32>
    %swap3A_112 = arith.constant 0 : index
    %swap3A_113 = arith.constant 768 : index
    %swap3A_114 = vector.load %arg12[%swap3A_112, %swap3A_113] : memref<256x8192xf32, #tpu.memory_space<vmem>>, vector<256x128xf32>
    tpu.vector_store %arg12[%swap3A_112, %swap3A_113], %mul3A_111 {strides = array<i32>} : memref<256x8192xf32, #tpu.memory_space<vmem>>, vector<256x128xf32>,
    %get3A_115 = arith.constant 0 : index
    %get3A_116 = arith.constant 7 : index
    %get3A_117 = vector.load %arg1[%get3A_115, %get3A_116] : memref<256x64xf32, #tpu.memory_space<vmem>>, vector<256x1xf32>
    %mul3A_118 = vector.broadcast %get3A_117 : vector<256x1xf32> to vector<256x128xf32>
    %mul3A_119 = arith.mulf %mul3A_118, %get3A_1 : vector<256x128xf32>
    %slice3A_120 = vector.extract_strided_slice %convert_element_type3A_10 {offsets = [7, 0], sizes = [1, 128], strides = [1, 1]} : vector<64x128xf32> to vector<1x128xf32>
    %mul3A_121 = vector.broadcast %slice3A_120 : vector<1x128xf32> to vector<256x128xf32>
    %mul3A_122 = arith.mulf %mul3A_119, %mul3A_121 : vector<256x128xf32>
    %swap3A_123 = arith.constant 0 : index
    %swap3A_124 = arith.constant 896 : index
    %swap3A_125 = vector.load %arg12[%swap3A_123, %swap3A_124] : memref<256x8192xf32, #tpu.memory_space<vmem>>, vector<256x128xf32>
    tpu.vector_store %arg12[%swap3A_123, %swap3A_124], %mul3A_122 {strides = array<i32>} : memref<256x8192xf32, #tpu.memory_space<vmem>>, vector<256x128xf32>,
    %get3A_126 = arith.constant 0 : index
    %get3A_127 = arith.constant 8 : index
    %get3A_128 = vector.load %arg1[%get3A_126, %get3A_127] : memref<256x64xf32, #tpu.memory_space<vmem>>, vector<256x1xf32>
    %mul3A_129 = vector.broadcast %get3A_128 : vector<256x1xf32> to vector<256x128xf32>
    %mul3A_130 = arith.mulf %mul3A_129, %get3A_1 : vector<256x128xf32>
    %slice3A_131 = vector.extract_strided_slice %convert_element_type3A_10 {offsets = [8, 0], sizes = [1, 128], strides = [1, 1]} : vector<64x128xf32> to vector<1x128xf32>
    %mul3A_132 = vector.broadcast %slice3A_131 : vector<1x128xf32> to vector<256x128xf32>
    %mul3A_133 = arith.mulf %mul3A_130, %mul3A_132 : vector<256x128xf32>
    %swap3A_134 = arith.constant 0 : index
    %swap3A_135 = arith.constant 1024 : index
    %swap3A_136 = vector.load %arg12[%swap3A_134, %swap3A_135] : memref<256x8192xf32, #tpu.memory_space<vmem>>, vector<256x128xf32>
    tpu.vector_store %arg12[%swap3A_134, %swap3A_135], %mul3A_133 {strides = array<i32>} : memref<256x8192xf32, #tpu.memory_space<vmem>>, vector<256x128xf32>,
    %get3A_137 = arith.constant 0 : index
    %get3A_138 = arith.constant 9 : index
    %get3A_139 = vector.load %arg1[%get3A_137, %get3A_138] : memref<256x64xf32, #tpu.memory_space<vmem>>, vector<256x1xf32>
    %mul3A_140 = vector.broadcast %get3A_139 : vector<256x1xf32> to vector<256x128xf32>
    %mul3A_141 = arith.mulf %mul3A_140, %get3A_1 : vector<256x128xf32>
    %slice3A_142 = vector.extract_strided_slice %convert_element_type3A_10 {offsets = [9, 0], sizes = [1, 128], strides = [1, 1]} : vector<64x128xf32> to vector<1x128xf32>
    %mul3A_143 = vector.broadcast %slice3A_142 : vector<1x128xf32> to vector<256x128xf32>
    %mul3A_144 = arith.mulf %mul3A_141, %mul3A_143 : vector<256x128xf32>
    %swap3A_145 = arith.constant 0 : index
    %swap3A_146 = arith.constant 1152 : index
    %swap3A_147 = vector.load %arg12[%swap3A_145, %swap3A_146] : memref<256x8192xf32, #tpu.memory_space<vmem>>, vector<256x128xf32>
    tpu.vector_store %arg12[%swap3A_145, %swap3A_146], %mul3A_144 {strides = array<i32>} : memref<256x8192xf32, #tpu.memory_space<vmem>>, vector<256x128xf32>,
    %get3A_148 = arith.constant 0 : index
    %get3A_149 = arith.constant 10 : index
    %get3A_150 = vector.load %arg1[%get3A_148, %get3A_149] : memref<256x64xf32, #tpu.memory_space<vmem>>, vector<256x1xf32>
    %mul3A_151 = vector.broadcast %get3A_150 : vector<256x1xf32> to vector<256x128xf32>
    %mul3A_152 = arith.mulf %mul3A_151, %get3A_1 : vector<256x128xf32>
    %slice3A_153 = vector.extract_strided_slice %convert_element_type3A_10 {offsets = [10, 0], sizes = [1, 128], strides = [1, 1]} : vector<64x128xf32> to vector<1x128xf32>
    %mul3A_154 = vector.broadcast %slice3A_153 : vector<1x128xf32> to vector<256x128xf32>
    %mul3A_155 = arith.mulf %mul3A_152, %mul3A_154 : vector<256x128xf32>
    %swap3A_156 = arith.constant 0 : index
    %swap3A_157 = arith.constant 1280 : index
    %swap3A_158 = vector.load %arg12[%swap3A_156, %swap3A_157] : memref<256x8192xf32, #tpu.memory_space<vmem>>, vector<256x128xf32>
    tpu.vector_store %arg12[%swap3A_156, %swap3A_157], %mul3A_155 {strides = array<i32>} : memref<256x8192xf32, #tpu.memory_space<vmem>>, vector<256x128xf32>,
    %get3A_159 = arith.constant 0 : index
    %get3A_160 = arith.constant 11 : index
    %get3A_161 = vector.load %arg1[%get3A_159, %get3A_160] : memref<256x64xf32, #tpu.memory_space<vmem>>, vector<256x1xf32>
    %mul3A_162 = vector.broadcast %get3A_161 : vector<256x1xf32> to vector<256x128xf32>
    %mul3A_163 = arith.mulf %mul3A_162, %get3A_1 : vector<256x128xf32>
    %slice3A_164 = vector.extract_strided_slice %convert_element_type3A_10 {offsets = [11, 0], sizes = [1, 128], strides = [1, 1]} : vector<64x128xf32> to vector<1x128xf32>
    %mul3A_165 = vector.broadcast %slice3A_164 : vector<1x128xf32> to vector<256x128xf32>
    %mul3A_166 = arith.mulf %mul3A_163, %mul3A_165 : vector<256x128xf32>
    %swap3A_167 = arith.constant 0 : index
    %swap3A_168 = arith.constant 1408 : index
    %swap3A_169 = vector.load %arg12[%swap3A_167, %swap3A_168] : memref<256x8192xf32, #tpu.memory_space<vmem>>, vector<256x128xf32>
    tpu.vector_store %arg12[%swap3A_167, %swap3A_168], %mul3A_166 {strides = array<i32>} : memref<256x8192xf32, #tpu.memory_space<vmem>>, vector<256x128xf32>,
    %get3A_170 = arith.constant 0 : index
    %get3A_171 = arith.constant 12 : index
    %get3A_172 = vector.load %arg1[%get3A_170, %get3A_171] : memref<256x64xf32, #tpu.memory_space<vmem>>, vector<256x1xf32>
    %mul3A_173 = vector.broadcast %get3A_172 : vector<256x1xf32> to vector<256x128xf32>
    %mul3A_174 = arith.mulf %mul3A_173, %get3A_1 : vector<256x128xf32>
    %slice3A_175 = vector.extract_strided_slice %convert_element_type3A_10 {offsets = [12, 0], sizes = [1, 128], strides = [1, 1]} : vector<64x128xf32> to vector<1x128xf32>
    %mul3A_176 = vector.broadcast %slice3A_175 : vector<1x128xf32> to vector<256x128xf32>
    %mul3A_177 = arith.mulf %mul3A_174, %mul3A_176 : vector<256x128xf32>
    %swap3A_178 = arith.constant 0 : index
    %swap3A_179 = arith.constant 1536 : index
    %swap3A_180 = vector.load %arg12[%swap3A_178, %swap3A_179] : memref<256x8192xf32, #tpu.memory_space<vmem>>, vector<256x128xf32>
    tpu.vector_store %arg12[%swap3A_178, %swap3A_179], %mul3A_177 {strides = array<i32>} : memref<256x8192xf32, #tpu.memory_space<vmem>>, vector<256x128xf32>,
    %get3A_181 = arith.constant 0 : index
    %get3A_182 = arith.constant 13 : index
    %get3A_183 = vector.load %arg1[%get3A_181, %get3A_182] : memref<256x64xf32, #tpu.memory_space<vmem>>, vector<256x1xf32>
    %mul3A_184 = vector.broadcast %get3A_183 : vector<256x1xf32> to vector<256x128xf32>
    %mul3A_185 = arith.mulf %mul3A_184, %get3A_1 : vector<256x128xf32>
    %slice3A_186 = vector.extract_strided_slice %convert_element_type3A_10 {offsets = [13, 0], sizes = [1, 128], strides = [1, 1]} : vector<64x128xf32> to vector<1x128xf32>
    %mul3A_187 = vector.broadcast %slice3A_186 : vector<1x128xf32> to vector<256x128xf32>
    %mul3A_188 = arith.mulf %mul3A_185, %mul3A_187 : vector<256x128xf32>
    %swap3A_189 = arith.constant 0 : index
    %swap3A_190 = arith.constant 1664 : index
    %swap3A_191 = vector.load %arg12[%swap3A_189, %swap3A_190] : memref<256x8192xf32, #tpu.memory_space<vmem>>, vector<256x128xf32>
    tpu.vector_store %arg12[%swap3A_189, %swap3A_190], %mul3A_188 {strides = array<i32>} : memref<256x8192xf32, #tpu.memory_space<vmem>>, vector<256x128xf32>,
    %get3A_192 = arith.constant 0 : index
    %get3A_193 = arith.constant 14 : index
    %get3A_194 = vector.load %arg1[%get3A_192, %get3A_193] : memref<256x64xf32, #tpu.memory_space<vmem>>, vector<256x1xf32>
    %mul3A_195 = vector.broadcast %get3A_194 : vector<256x1xf32> to vector<256x128xf32>
    %mul3A_196 = arith.mulf %mul3A_195, %get3A_1 : vector<256x128xf32>
    %slice3A_197 = vector.extract_strided_slice %convert_element_type3A_10 {offsets = [14, 0], sizes = [1, 128], strides = [1, 1]} : vector<64x128xf32> to vector<1x128xf32>
    %mul3A_198 = vector.broadcast %slice3A_197 : vector<1x128xf32> to vector<256x128xf32>
    %mul3A_199 = arith.mulf %mul3A_196, %mul3A_198 : vector<256x128xf32>
    %swap3A_200 = arith.constant 0 : index
    %swap3A_201 = arith.constant 1792 : index
    %swap3A_202 = vector.load %arg12[%swap3A_200, %swap3A_201] : memref<256x8192xf32, #tpu.memory_space<vmem>>, vector<256x128xf32>
    tpu.vector_store %arg12[%swap3A_200, %swap3A_201], %mul3A_199 {strides = array<i32>} : memref<256x8192xf32, #tpu.memory_space<vmem>>, vector<256x128xf32>,
    %get3A_203 = arith.constant 0 : index
    %get3A_204 = arith.constant 15 : index
    %get3A_205 = vector.load %arg1[%get3A_203, %get3A_204] : memref<256x64xf32, #tpu.memory_space<vmem>>, vector<256x1xf32>
    %mul3A_206 = vector.broadcast %get3A_205 : vector<256x1xf32> to vector<256x128xf32>
    %mul3A_207 = arith.mulf %mul3A_206, %get3A_1 : vector<256x128xf32>
    %slice3A_208 = vector.extract_strided_slice %convert_element_type3A_10 {offsets = [15, 0], sizes = [1, 128], strides = [1, 1]} : vector<64x128xf32> to vector<1x128xf32>
    %mul3A_209 = vector.broadcast %slice3A_208 : vector<1x128xf32> to vector<256x128xf32>
    %mul3A_210 = arith.mulf %mul3A_207, %mul3A_209 : vector<256x128xf32>
    %swap3A_211 = arith.constant 0 : index
    %swap3A_212 = arith.constant 1920 : index
    %swap3A_213 = vector.load %arg12[%swap3A_211, %swap3A_212] : memref<256x8192xf32, #tpu.memory_space<vmem>>, vector<256x128xf32>
    tpu.vector_store %arg12[%swap3A_211, %swap3A_212], %mul3A_210 {strides = array<i32>} : memref<256x8192xf32, #tpu.memory_space<vmem>>, vector<256x128xf32>,
    %get3A_214 = arith.constant 0 : index
    %get3A_215 = arith.constant 16 : index
    %get3A_216 = vector.load %arg1[%get3A_214, %get3A_215] : memref<256x64xf32, #tpu.memory_space<vmem>>, vector<256x1xf32>
    %mul3A_217 = vector.broadcast %get3A_216 : vector<256x1xf32> to vector<256x128xf32>
    %mul3A_218 = arith.mulf %mul3A_217, %get3A_1 : vector<256x128xf32>
    %slice3A_219 = vector.extract_strided_slice %convert_element_type3A_10 {offsets = [16, 0], sizes = [1, 128], strides = [1, 1]} : vector<64x128xf32> to vector<1x128xf32>
    %mul3A_220 = vector.broadcast %slice3A_219 : vector<1x128xf32> to vector<256x128xf32>
    %mul3A_221 = arith.mulf %mul3A_218, %mul3A_220 : vector<256x128xf32>
    %swap3A_222 = arith.constant 0 : index
    %swap3A_223 = arith.constant 2048 : index
    %swap3A_224 = vector.load %arg12[%swap3A_222, %swap3A_223] : memref<256x8192xf32, #tpu.memory_space<vmem>>, vector<256x128xf32>
    tpu.vector_store %arg12[%swap3A_222, %swap3A_223], %mul3A_221 {strides = array<i32>} : memref<256x8192xf32, #tpu.memory_space<vmem>>, vector<256x128xf32>,
    %get3A_225 = arith.constant 0 : index
    %get3A_226 = arith.constant 17 : index
    %get3A_227 = vector.load %arg1[%get3A_225, %get3A_226] : memref<256x64xf32, #tpu.memory_space<vmem>>, vector<256x1xf32>
    %mul3A_228 = vector.broadcast %get3A_227 : vector<256x1xf32> to vector<256x128xf32>
    %mul3A_229 = arith.mulf %mul3A_228, %get3A_1 : vector<256x128xf32>
    %slice3A_230 = vector.extract_strided_slice %convert_element_type3A_10 {offsets = [17, 0], sizes = [1, 128], strides = [1, 1]} : vector<64x128xf32> to vector<1x128xf32>
    %mul3A_231 = vector.broadcast %slice3A_230 : vector<1x128xf32> to vector<256x128xf32>
    %mul3A_232 = arith.mulf %mul3A_229, %mul3A_231 : vector<256x128xf32>
    %swap3A_233 = arith.constant 0 : index
    %swap3A_234 = arith.constant 2176 : index
    %swap3A_235 = vector.load %arg12[%swap3A_233, %swap3A_234] : memref<256x8192xf32, #tpu.memory_space<vmem>>, vector<256x128xf32>
    tpu.vector_store %arg12[%swap3A_233, %swap3A_234], %mul3A_232 {strides = array<i32>} : memref<256x8192xf32, #tpu.memory_space<vmem>>, vector<256x128xf32>,
    %get3A_236 = arith.constant 0 : index
    %get3A_237 = arith.constant 18 : index
    %get3A_238 = vector.load %arg1[%get3A_236, %get3A_237] : memref<256x64xf32, #tpu.memory_space<vmem>>, vector<256x1xf32>
    %mul3A_239 = vector.broadcast %get3A_238 : vector<256x1xf32> to vector<256x128xf32>
    %mul3A_240 = arith.mulf %mul3A_239, %get3A_1 : vector<256x128xf32>
    %slice3A_241 = vector.extract_strided_slice %convert_element_type3A_10 {offsets = [18, 0], sizes = [1, 128], strides = [1, 1]} : vector<64x128xf32> to vector<1x128xf32>
    %mul3A_242 = vector.broadcast %slice3A_241 : vector<1x128xf32> to vector<256x128xf32>
    %mul3A_243 = arith.mulf %mul3A_240, %mul3A_242 : vector<256x128xf32>
    %swap3A_244 = arith.constant 0 : index
    %swap3A_245 = arith.constant 2304 : index
    %swap3A_246 = vector.load %arg12[%swap3A_244, %swap3A_245] : memref<256x8192xf32, #tpu.memory_space<vmem>>, vector<256x128xf32>
    tpu.vector_store %arg12[%swap3A_244, %swap3A_245], %mul3A_243 {strides = array<i32>} : memref<256x8192xf32, #tpu.memory_space<vmem>>, vector<256x128xf32>,
    %get3A_247 = arith.constant 0 : index
    %get3A_248 = arith.constant 19 : index
    %get3A_249 = vector.load %arg1[%get3A_247, %get3A_248] : memref<256x64xf32, #tpu.memory_space<vmem>>, vector<256x1xf32>
    %mul3A_250 = vector.broadcast %get3A_249 : vector<256x1xf32> to vector<256x128xf32>
    %mul3A_251 = arith.mulf %mul3A_250, %get3A_1 : vector<256x128xf32>
    %slice3A_252 = vector.extract_strided_slice %convert_element_type3A_10 {offsets = [19, 0], sizes = [1, 128], strides = [1, 1]} : vector<64x128xf32> to vector<1x128xf32>
    %mul3A_253 = vector.broadcast %slice3A_252 : vector<1x128xf32> to vector<256x128xf32>
    %mul3A_254 = arith.mulf %mul3A_251, %mul3A_253 : vector<256x128xf32>
    %swap3A_255 = arith.constant 0 : index
    %swap3A_256 = arith.constant 2432 : index
    %swap3A_257 = vector.load %arg12[%swap3A_255, %swap3A_256] : memref<256x8192xf32, #tpu.memory_space<vmem>>, vector<256x128xf32>
    tpu.vector_store %arg12[%swap3A_255, %swap3A_256], %mul3A_254 {strides = array<i32>} : memref<256x8192xf32, #tpu.memory_space<vmem>>, vector<256x128xf32>,
    %get3A_258 = arith.constant 0 : index
    %get3A_259 = arith.constant 20 : index
    %get3A_260 = vector.load %arg1[%get3A_258, %get3A_259] : memref<256x64xf32, #tpu.memory_space<vmem>>, vector<256x1xf32>
    %mul3A_261 = vector.broadcast %get3A_260 : vector<256x1xf32> to vector<256x128xf32>
    %mul3A_262 = arith.mulf %mul3A_261, %get3A_1 : vector<256x128xf32>
    %slice3A_263 = vector.extract_strided_slice %convert_element_type3A_10 {offsets = [20, 0], sizes = [1, 128], strides = [1, 1]} : vector<64x128xf32> to vector<1x128xf32>
    %mul3A_264 = vector.broadcast %slice3A_263 : vector<1x128xf32> to vector<256x128xf32>
    %mul3A_265 = arith.mulf %mul3A_262, %mul3A_264 : vector<256x128xf32>
    %swap3A_266 = arith.constant 0 : index
    %swap3A_267 = arith.constant 2560 : index
    %swap3A_268 = vector.load %arg12[%swap3A_266, %swap3A_267] : memref<256x8192xf32, #tpu.memory_space<vmem>>, vector<256x128xf32>
    tpu.vector_store %arg12[%swap3A_266, %swap3A_267], %mul3A_265 {strides = array<i32>} : memref<256x8192xf32, #tpu.memory_space<vmem>>, vector<256x128xf32>,
    %get3A_269 = arith.constant 0 : index
    %get3A_270 = arith.constant 21 : index
    %get3A_271 = vector.load %arg1[%get3A_269, %get3A_270] : memref<256x64xf32, #tpu.memory_space<vmem>>, vector<256x1xf32>
    %mul3A_272 = vector.broadcast %get3A_271 : vector<256x1xf32> to vector<256x128xf32>
    %mul3A_273 = arith.mulf %mul3A_272, %get3A_1 : vector<256x128xf32>
    %slice3A_274 = vector.extract_strided_slice %convert_element_type3A_10 {offsets = [21, 0], sizes = [1, 128], strides = [1, 1]} : vector<64x128xf32> to vector<1x128xf32>
    %mul3A_275 = vector.broadcast %slice3A_274 : vector<1x128xf32> to vector<256x128xf32>
    %mul3A_276 = arith.mulf %mul3A_273, %mul3A_275 : vector<256x128xf32>
    %swap3A_277 = arith.constant 0 : index
    %swap3A_278 = arith.constant 2688 : index
    %swap3A_279 = vector.load %arg12[%swap3A_277, %swap3A_278] : memref<256x8192xf32, #tpu.memory_space<vmem>>, vector<256x128xf32>
    tpu.vector_store %arg12[%swap3A_277, %swap3A_278], %mul3A_276 {strides = array<i32>} : memref<256x8192xf32, #tpu.memory_space<vmem>>, vector<256x128xf32>,
    %get3A_280 = arith.constant 0 : index
    %get3A_281 = arith.constant 22 : index
    %get3A_282 = vector.load %arg1[%get3A_280, %get3A_281] : memref<256x64xf32, #tpu.memory_space<vmem>>, vector<256x1xf32>
    %mul3A_283 = vector.broadcast %get3A_282 : vector<256x1xf32> to vector<256x128xf32>
    %mul3A_284 = arith.mulf %mul3A_283, %get3A_1 : vector<256x128xf32>
    %slice3A_285 = vector.extract_strided_slice %convert_element_type3A_10 {offsets = [22, 0], sizes = [1, 128], strides = [1, 1]} : vector<64x128xf32> to vector<1x128xf32>
    %mul3A_286 = vector.broadcast %slice3A_285 : vector<1x128xf32> to vector<256x128xf32>
    %mul3A_287 = arith.mulf %mul3A_284, %mul3A_286 : vector<256x128xf32>
    %swap3A_288 = arith.constant 0 : index
    %swap3A_289 = arith.constant 2816 : index
    %swap3A_290 = vector.load %arg12[%swap3A_288, %swap3A_289] : memref<256x8192xf32, #tpu.memory_space<vmem>>, vector<256x128xf32>
    tpu.vector_store %arg12[%swap3A_288, %swap3A_289], %mul3A_287 {strides = array<i32>} : memref<256x8192xf32, #tpu.memory_space<vmem>>, vector<256x128xf32>,
    %get3A_291 = arith.constant 0 : index
    %get3A_292 = arith.constant 23 : index
    %get3A_293 = vector.load %arg1[%get3A_291, %get3A_292] : memref<256x64xf32, #tpu.memory_space<vmem>>, vector<256x1xf32>
    %mul3A_294 = vector.broadcast %get3A_293 : vector<256x1xf32> to vector<256x128xf32>
    %mul3A_295 = arith.mulf %mul3A_294, %get3A_1 : vector<256x128xf32>
    %slice3A_296 = vector.extract_strided_slice %convert_element_type3A_10 {offsets = [23, 0], sizes = [1, 128], strides = [1, 1]} : vector<64x128xf32> to vector<1x128xf32>
    %mul3A_297 = vector.broadcast %slice3A_296 : vector<1x128xf32> to vector<256x128xf32>
    %mul3A_298 = arith.mulf %mul3A_295, %mul3A_297 : vector<256x128xf32>
    %swap3A_299 = arith.constant 0 : index
    %swap3A_300 = arith.constant 2944 : index
    %swap3A_301 = vector.load %arg12[%swap3A_299, %swap3A_300] : memref<256x8192xf32, #tpu.memory_space<vmem>>, vector<256x128xf32>
    tpu.vector_store %arg12[%swap3A_299, %swap3A_300], %mul3A_298 {strides = array<i32>} : memref<256x8192xf32, #tpu.memory_space<vmem>>, vector<256x128xf32>,
    %get3A_302 = arith.constant 0 : index
    %get3A_303 = arith.constant 24 : index
    %get3A_304 = vector.load %arg1[%get3A_302, %get3A_303] : memref<256x64xf32, #tpu.memory_space<vmem>>, vector<256x1xf32>
    %mul3A_305 = vector.broadcast %get3A_304 : vector<256x1xf32> to vector<256x128xf32>
    %mul3A_306 = arith.mulf %mul3A_305, %get3A_1 : vector<256x128xf32>
    %slice3A_307 = vector.extract_strided_slice %convert_element_type3A_10 {offsets = [24, 0], sizes = [1, 128], strides = [1, 1]} : vector<64x128xf32> to vector<1x128xf32>
    %mul3A_308 = vector.broadcast %slice3A_307 : vector<1x128xf32> to vector<256x128xf32>
    %mul3A_309 = arith.mulf %mul3A_306, %mul3A_308 : vector<256x128xf32>
    %swap3A_310 = arith.constant 0 : index
    %swap3A_311 = arith.constant 3072 : index
    %swap3A_312 = vector.load %arg12[%swap3A_310, %swap3A_311] : memref<256x8192xf32, #tpu.memory_space<vmem>>, vector<256x128xf32>
    tpu.vector_store %arg12[%swap3A_310, %swap3A_311], %mul3A_309 {strides = array<i32>} : memref<256x8192xf32, #tpu.memory_space<vmem>>, vector<256x128xf32>,
    %get3A_313 = arith.constant 0 : index
    %get3A_314 = arith.constant 25 : index
    %get3A_315 = vector.load %arg1[%get3A_313, %get3A_314] : memref<256x64xf32, #tpu.memory_space<vmem>>, vector<256x1xf32>
    %mul3A_316 = vector.broadcast %get3A_315 : vector<256x1xf32> to vector<256x128xf32>
    %mul3A_317 = arith.mulf %mul3A_316, %get3A_1 : vector<256x128xf32>
    %slice3A_318 = vector.extract_strided_slice %convert_element_type3A_10 {offsets = [25, 0], sizes = [1, 128], strides = [1, 1]} : vector<64x128xf32> to vector<1x128xf32>
    %mul3A_319 = vector.broadcast %slice3A_318 : vector<1x128xf32> to vector<256x128xf32>
    %mul3A_320 = arith.mulf %mul3A_317, %mul3A_319 : vector<256x128xf32>
    %swap3A_321 = arith.constant 0 : index
    %swap3A_322 = arith.constant 3200 : index
    %swap3A_323 = vector.load %arg12[%swap3A_321, %swap3A_322] : memref<256x8192xf32, #tpu.memory_space<vmem>>, vector<256x128xf32>
    tpu.vector_store %arg12[%swap3A_321, %swap3A_322], %mul3A_320 {strides = array<i32>} : memref<256x8192xf32, #tpu.memory_space<vmem>>, vector<256x128xf32>,
    %get3A_324 = arith.constant 0 : index
    %get3A_325 = arith.constant 26 : index
    %get3A_326 = vector.load %arg1[%get3A_324, %get3A_325] : memref<256x64xf32, #tpu.memory_space<vmem>>, vector<256x1xf32>
    %mul3A_327 = vector.broadcast %get3A_326 : vector<256x1xf32> to vector<256x128xf32>
    %mul3A_328 = arith.mulf %mul3A_327, %get3A_1 : vector<256x128xf32>
    %slice3A_329 = vector.extract_strided_slice %convert_element_type3A_10 {offsets = [26, 0], sizes = [1, 128], strides = [1, 1]} : vector<64x128xf32> to vector<1x128xf32>
    %mul3A_330 = vector.broadcast %slice3A_329 : vector<1x128xf32> to vector<256x128xf32>
    %mul3A_331 = arith.mulf %mul3A_328, %mul3A_330 : vector<256x128xf32>
    %swap3A_332 = arith.constant 0 : index
    %swap3A_333 = arith.constant 3328 : index
    %swap3A_334 = vector.load %arg12[%swap3A_332, %swap3A_333] : memref<256x8192xf32, #tpu.memory_space<vmem>>, vector<256x128xf32>
    tpu.vector_store %arg12[%swap3A_332, %swap3A_333], %mul3A_331 {strides = array<i32>} : memref<256x8192xf32, #tpu.memory_space<vmem>>, vector<256x128xf32>,
    %get3A_335 = arith.constant 0 : index
    %get3A_336 = arith.constant 27 : index
    %get3A_337 = vector.load %arg1[%get3A_335, %get3A_336] : memref<256x64xf32, #tpu.memory_space<vmem>>, vector<256x1xf32>
    %mul3A_338 = vector.broadcast %get3A_337 : vector<256x1xf32> to vector<256x128xf32>
    %mul3A_339 = arith.mulf %mul3A_338, %get3A_1 : vector<256x128xf32>
    %slice3A_340 = vector.extract_strided_slice %convert_element_type3A_10 {offsets = [27, 0], sizes = [1, 128], strides = [1, 1]} : vector<64x128xf32> to vector<1x128xf32>
    %mul3A_341 = vector.broadcast %slice3A_340 : vector<1x128xf32> to vector<256x128xf32>
    %mul3A_342 = arith.mulf %mul3A_339, %mul3A_341 : vector<256x128xf32>
    %swap3A_343 = arith.constant 0 : index
    %swap3A_344 = arith.constant 3456 : index
    %swap3A_345 = vector.load %arg12[%swap3A_343, %swap3A_344] : memref<256x8192xf32, #tpu.memory_space<vmem>>, vector<256x128xf32>
    tpu.vector_store %arg12[%swap3A_343, %swap3A_344], %mul3A_342 {strides = array<i32>} : memref<256x8192xf32, #tpu.memory_space<vmem>>, vector<256x128xf32>,
    %get3A_346 = arith.constant 0 : index
    %get3A_347 = arith.constant 28 : index
    %get3A_348 = vector.load %arg1[%get3A_346, %get3A_347] : memref<256x64xf32, #tpu.memory_space<vmem>>, vector<256x1xf32>
    %mul3A_349 = vector.broadcast %get3A_348 : vector<256x1xf32> to vector<256x128xf32>
    %mul3A_350 = arith.mulf %mul3A_349, %get3A_1 : vector<256x128xf32>
    %slice3A_351 = vector.extract_strided_slice %convert_element_type3A_10 {offsets = [28, 0], sizes = [1, 128], strides = [1, 1]} : vector<64x128xf32> to vector<1x128xf32>
    %mul3A_352 = vector.broadcast %slice3A_351 : vector<1x128xf32> to vector<256x128xf32>
    %mul3A_353 = arith.mulf %mul3A_350, %mul3A_352 : vector<256x128xf32>
    %swap3A_354 = arith.constant 0 : index
    %swap3A_355 = arith.constant 3584 : index
    %swap3A_356 = vector.load %arg12[%swap3A_354, %swap3A_355] : memref<256x8192xf32, #tpu.memory_space<vmem>>, vector<256x128xf32>
    tpu.vector_store %arg12[%swap3A_354, %swap3A_355], %mul3A_353 {strides = array<i32>} : memref<256x8192xf32, #tpu.memory_space<vmem>>, vector<256x128xf32>,
    %get3A_357 = arith.constant 0 : index
    %get3A_358 = arith.constant 29 : index
    %get3A_359 = vector.load %arg1[%get3A_357, %get3A_358] : memref<256x64xf32, #tpu.memory_space<vmem>>, vector<256x1xf32>
    %mul3A_360 = vector.broadcast %get3A_359 : vector<256x1xf32> to vector<256x128xf32>
    %mul3A_361 = arith.mulf %mul3A_360, %get3A_1 : vector<256x128xf32>
    %slice3A_362 = vector.extract_strided_slice %convert_element_type3A_10 {offsets = [29, 0], sizes = [1, 128], strides = [1, 1]} : vector<64x128xf32> to vector<1x128xf32>
    %mul3A_363 = vector.broadcast %slice3A_362 : vector<1x128xf32> to vector<256x128xf32>
    %mul3A_364 = arith.mulf %mul3A_361, %mul3A_363 : vector<256x128xf32>
    %swap3A_365 = arith.constant 0 : index
    %swap3A_366 = arith.constant 3712 : index
    %swap3A_367 = vector.load %arg12[%swap3A_365, %swap3A_366] : memref<256x8192xf32, #tpu.memory_space<vmem>>, vector<256x128xf32>
    tpu.vector_store %arg12[%swap3A_365, %swap3A_366], %mul3A_364 {strides = array<i32>} : memref<256x8192xf32, #tpu.memory_space<vmem>>, vector<256x128xf32>,
    %get3A_368 = arith.constant 0 : index
    %get3A_369 = arith.constant 30 : index
    %get3A_370 = vector.load %arg1[%get3A_368, %get3A_369] : memref<256x64xf32, #tpu.memory_space<vmem>>, vector<256x1xf32>
    %mul3A_371 = vector.broadcast %get3A_370 : vector<256x1xf32> to vector<256x128xf32>
    %mul3A_372 = arith.mulf %mul3A_371, %get3A_1 : vector<256x128xf32>
    %slice3A_373 = vector.extract_strided_slice %convert_element_type3A_10 {offsets = [30, 0], sizes = [1, 128], strides = [1, 1]} : vector<64x128xf32> to vector<1x128xf32>
    %mul3A_374 = vector.broadcast %slice3A_373 : vector<1x128xf32> to vector<256x128xf32>
    %mul3A_375 = arith.mulf %mul3A_372, %mul3A_374 : vector<256x128xf32>
    %swap3A_376 = arith.constant 0 : index
    %swap3A_377 = arith.constant 3840 : index
    %swap3A_378 = vector.load %arg12[%swap3A_376, %swap3A_377] : memref<256x8192xf32, #tpu.memory_space<vmem>>, vector<256x128xf32>
    tpu.vector_store %arg12[%swap3A_376, %swap3A_377], %mul3A_375 {strides = array<i32>} : memref<256x8192xf32, #tpu.memory_space<vmem>>, vector<256x128xf32>,
    %get3A_379 = arith.constant 0 : index
    %get3A_380 = arith.constant 31 : index
    %get3A_381 = vector.load %arg1[%get3A_379, %get3A_380] : memref<256x64xf32, #tpu.memory_space<vmem>>, vector<256x1xf32>
    %mul3A_382 = vector.broadcast %get3A_381 : vector<256x1xf32> to vector<256x128xf32>
    %mul3A_383 = arith.mulf %mul3A_382, %get3A_1 : vector<256x128xf32>
    %slice3A_384 = vector.extract_strided_slice %convert_element_type3A_10 {offsets = [31, 0], sizes = [1, 128], strides = [1, 1]} : vector<64x128xf32> to vector<1x128xf32>
    %mul3A_385 = vector.broadcast %slice3A_384 : vector<1x128xf32> to vector<256x128xf32>
    %mul3A_386 = arith.mulf %mul3A_383, %mul3A_385 : vector<256x128xf32>
    %swap3A_387 = arith.constant 0 : index
    %swap3A_388 = arith.constant 3968 : index
    %swap3A_389 = vector.load %arg12[%swap3A_387, %swap3A_388] : memref<256x8192xf32, #tpu.memory_space<vmem>>, vector<256x128xf32>
    tpu.vector_store %arg12[%swap3A_387, %swap3A_388], %mul3A_386 {strides = array<i32>} : memref<256x8192xf32, #tpu.memory_space<vmem>>, vector<256x128xf32>,
    %get3A_390 = arith.constant 0 : index
    %get3A_391 = arith.constant 32 : index
    %get3A_392 = vector.load %arg1[%get3A_390, %get3A_391] : memref<256x64xf32, #tpu.memory_space<vmem>>, vector<256x1xf32>
    %mul3A_393 = vector.broadcast %get3A_392 : vector<256x1xf32> to vector<256x128xf32>
    %mul3A_394 = arith.mulf %mul3A_393, %get3A_1 : vector<256x128xf32>
    %slice3A_395 = vector.extract_strided_slice %convert_element_type3A_10 {offsets = [32, 0], sizes = [1, 128], strides = [1, 1]} : vector<64x128xf32> to vector<1x128xf32>
    %mul3A_396 = vector.broadcast %slice3A_395 : vector<1x128xf32> to vector<256x128xf32>
    %mul3A_397 = arith.mulf %mul3A_394, %mul3A_396 : vector<256x128xf32>
    %swap3A_398 = arith.constant 0 : index
    %swap3A_399 = arith.constant 4096 : index
    %swap3A_400 = vector.load %arg12[%swap3A_398, %swap3A_399] : memref<256x8192xf32, #tpu.memory_space<vmem>>, vector<256x128xf32>
    tpu.vector_store %arg12[%swap3A_398, %swap3A_399], %mul3A_397 {strides = array<i32>} : memref<256x8192xf32, #tpu.memory_space<vmem>>, vector<256x128xf32>,
    %get3A_401 = arith.constant 0 : index
    %get3A_402 = arith.constant 33 : index
    %get3A_403 = vector.load %arg1[%get3A_401, %get3A_402] : memref<256x64xf32, #tpu.memory_space<vmem>>, vector<256x1xf32>
    %mul3A_404 = vector.broadcast %get3A_403 : vector<256x1xf32> to vector<256x128xf32>
    %mul3A_405 = arith.mulf %mul3A_404, %get3A_1 : vector<256x128xf32>
    %slice3A_406 = vector.extract_strided_slice %convert_element_type3A_10 {offsets = [33, 0], sizes = [1, 128], strides = [1, 1]} : vector<64x128xf32> to vector<1x128xf32>
    %mul3A_407 = vector.broadcast %slice3A_406 : vector<1x128xf32> to vector<256x128xf32>
    %mul3A_408 = arith.mulf %mul3A_405, %mul3A_407 : vector<256x128xf32>
    %swap3A_409 = arith.constant 0 : index
    %swap3A_410 = arith.constant 4224 : index
    %swap3A_411 = vector.load %arg12[%swap3A_409, %swap3A_410] : memref<256x8192xf32, #tpu.memory_space<vmem>>, vector<256x128xf32>
    tpu.vector_store %arg12[%swap3A_409, %swap3A_410], %mul3A_408 {strides = array<i32>} : memref<256x8192xf32, #tpu.memory_space<vmem>>, vector<256x128xf32>,
    %get3A_412 = arith.constant 0 : index
    %get3A_413 = arith.constant 34 : index
    %get3A_414 = vector.load %arg1[%get3A_412, %get3A_413] : memref<256x64xf32, #tpu.memory_space<vmem>>, vector<256x1xf32>
    %mul3A_415 = vector.broadcast %get3A_414 : vector<256x1xf32> to vector<256x128xf32>
    %mul3A_416 = arith.mulf %mul3A_415, %get3A_1 : vector<256x128xf32>
    %slice3A_417 = vector.extract_strided_slice %convert_element_type3A_10 {offsets = [34, 0], sizes = [1, 128], strides = [1, 1]} : vector<64x128xf32> to vector<1x128xf32>
    %mul3A_418 = vector.broadcast %slice3A_417 : vector<1x128xf32> to vector<256x128xf32>
    %mul3A_419 = arith.mulf %mul3A_416, %mul3A_418 : vector<256x128xf32>
    %swap3A_420 = arith.constant 0 : index
    %swap3A_421 = arith.constant 4352 : index
    %swap3A_422 = vector.load %arg12[%swap3A_420, %swap3A_421] : memref<256x8192xf32, #tpu.memory_space<vmem>>, vector<256x128xf32>
    tpu.vector_store %arg12[%swap3A_420, %swap3A_421], %mul3A_419 {strides = array<i32>} : memref<256x8192xf32, #tpu.memory_space<vmem>>, vector<256x128xf32>,
    %get3A_423 = arith.constant 0 : index
    %get3A_424 = arith.constant 35 : index
    %get3A_425 = vector.load %arg1[%get3A_423, %get3A_424] : memref<256x64xf32, #tpu.memory_space<vmem>>, vector<256x1xf32>
    %mul3A_426 = vector.broadcast %get3A_425 : vector<256x1xf32> to vector<256x128xf32>
    %mul3A_427 = arith.mulf %mul3A_426, %get3A_1 : vector<256x128xf32>
    %slice3A_428 = vector.extract_strided_slice %convert_element_type3A_10 {offsets = [35, 0], sizes = [1, 128], strides = [1, 1]} : vector<64x128xf32> to vector<1x128xf32>
    %mul3A_429 = vector.broadcast %slice3A_428 : vector<1x128xf32> to vector<256x128xf32>
    %mul3A_430 = arith.mulf %mul3A_427, %mul3A_429 : vector<256x128xf32>
    %swap3A_431 = arith.constant 0 : index
    %swap3A_432 = arith.constant 4480 : index
    %swap3A_433 = vector.load %arg12[%swap3A_431, %swap3A_432] : memref<256x8192xf32, #tpu.memory_space<vmem>>, vector<256x128xf32>
    tpu.vector_store %arg12[%swap3A_431, %swap3A_432], %mul3A_430 {strides = array<i32>} : memref<256x8192xf32, #tpu.memory_space<vmem>>, vector<256x128xf32>,
    %get3A_434 = arith.constant 0 : index
    %get3A_435 = arith.constant 36 : index
    %get3A_436 = vector.load %arg1[%get3A_434, %get3A_435] : memref<256x64xf32, #tpu.memory_space<vmem>>, vector<256x1xf32>
    %mul3A_437 = vector.broadcast %get3A_436 : vector<256x1xf32> to vector<256x128xf32>
    %mul3A_438 = arith.mulf %mul3A_437, %get3A_1 : vector<256x128xf32>
    %slice3A_439 = vector.extract_strided_slice %convert_element_type3A_10 {offsets = [36, 0], sizes = [1, 128], strides = [1, 1]} : vector<64x128xf32> to vector<1x128xf32>
    %mul3A_440 = vector.broadcast %slice3A_439 : vector<1x128xf32> to vector<256x128xf32>
    %mul3A_441 = arith.mulf %mul3A_438, %mul3A_440 : vector<256x128xf32>
    %swap3A_442 = arith.constant 0 : index
    %swap3A_443 = arith.constant 4608 : index
    %swap3A_444 = vector.load %arg12[%swap3A_442, %swap3A_443] : memref<256x8192xf32, #tpu.memory_space<vmem>>, vector<256x128xf32>
    tpu.vector_store %arg12[%swap3A_442, %swap3A_443], %mul3A_441 {strides = array<i32>} : memref<256x8192xf32, #tpu.memory_space<vmem>>, vector<256x128xf32>,
    %get3A_445 = arith.constant 0 : index
    %get3A_446 = arith.constant 37 : index
    %get3A_447 = vector.load %arg1[%get3A_445, %get3A_446] : memref<256x64xf32, #tpu.memory_space<vmem>>, vector<256x1xf32>
    %mul3A_448 = vector.broadcast %get3A_447 : vector<256x1xf32> to vector<256x128xf32>
    %mul3A_449 = arith.mulf %mul3A_448, %get3A_1 : vector<256x128xf32>
    %slice3A_450 = vector.extract_strided_slice %convert_element_type3A_10 {offsets = [37, 0], sizes = [1, 128], strides = [1, 1]} : vector<64x128xf32> to vector<1x128xf32>
    %mul3A_451 = vector.broadcast %slice3A_450 : vector<1x128xf32> to vector<256x128xf32>
    %mul3A_452 = arith.mulf %mul3A_449, %mul3A_451 : vector<256x128xf32>
    %swap3A_453 = arith.constant 0 : index
    %swap3A_454 = arith.constant 4736 : index
    %swap3A_455 = vector.load %arg12[%swap3A_453, %swap3A_454] : memref<256x8192xf32, #tpu.memory_space<vmem>>, vector<256x128xf32>
    tpu.vector_store %arg12[%swap3A_453, %swap3A_454], %mul3A_452 {strides = array<i32>} : memref<256x8192xf32, #tpu.memory_space<vmem>>, vector<256x128xf32>,
    %get3A_456 = arith.constant 0 : index
    %get3A_457 = arith.constant 38 : index
    %get3A_458 = vector.load %arg1[%get3A_456, %get3A_457] : memref<256x64xf32, #tpu.memory_space<vmem>>, vector<256x1xf32>
    %mul3A_459 = vector.broadcast %get3A_458 : vector<256x1xf32> to vector<256x128xf32>
    %mul3A_460 = arith.mulf %mul3A_459, %get3A_1 : vector<256x128xf32>
    %slice3A_461 = vector.extract_strided_slice %convert_element_type3A_10 {offsets = [38, 0], sizes = [1, 128], strides = [1, 1]} : vector<64x128xf32> to vector<1x128xf32>
    %mul3A_462 = vector.broadcast %slice3A_461 : vector<1x128xf32> to vector<256x128xf32>
    %mul3A_463 = arith.mulf %mul3A_460, %mul3A_462 : vector<256x128xf32>
    %swap3A_464 = arith.constant 0 : index
    %swap3A_465 = arith.constant 4864 : index
    %swap3A_466 = vector.load %arg12[%swap3A_464, %swap3A_465] : memref<256x8192xf32, #tpu.memory_space<vmem>>, vector<256x128xf32>
    tpu.vector_store %arg12[%swap3A_464, %swap3A_465], %mul3A_463 {strides = array<i32>} : memref<256x8192xf32, #tpu.memory_space<vmem>>, vector<256x128xf32>,
    %get3A_467 = arith.constant 0 : index
    %get3A_468 = arith.constant 39 : index
    %get3A_469 = vector.load %arg1[%get3A_467, %get3A_468] : memref<256x64xf32, #tpu.memory_space<vmem>>, vector<256x1xf32>
    %mul3A_470 = vector.broadcast %get3A_469 : vector<256x1xf32> to vector<256x128xf32>
    %mul3A_471 = arith.mulf %mul3A_470, %get3A_1 : vector<256x128xf32>
    %slice3A_472 = vector.extract_strided_slice %convert_element_type3A_10 {offsets = [39, 0], sizes = [1, 128], strides = [1, 1]} : vector<64x128xf32> to vector<1x128xf32>
    %mul3A_473 = vector.broadcast %slice3A_472 : vector<1x128xf32> to vector<256x128xf32>
    %mul3A_474 = arith.mulf %mul3A_471, %mul3A_473 : vector<256x128xf32>
    %swap3A_475 = arith.constant 0 : index
    %swap3A_476 = arith.constant 4992 : index
    %swap3A_477 = vector.load %arg12[%swap3A_475, %swap3A_476] : memref<256x8192xf32, #tpu.memory_space<vmem>>, vector<256x128xf32>
    tpu.vector_store %arg12[%swap3A_475, %swap3A_476], %mul3A_474 {strides = array<i32>} : memref<256x8192xf32, #tpu.memory_space<vmem>>, vector<256x128xf32>,
    %get3A_478 = arith.constant 0 : index
    %get3A_479 = arith.constant 40 : index
    %get3A_480 = vector.load %arg1[%get3A_478, %get3A_479] : memref<256x64xf32, #tpu.memory_space<vmem>>, vector<256x1xf32>
    %mul3A_481 = vector.broadcast %get3A_480 : vector<256x1xf32> to vector<256x128xf32>
    %mul3A_482 = arith.mulf %mul3A_481, %get3A_1 : vector<256x128xf32>
    %slice3A_483 = vector.extract_strided_slice %convert_element_type3A_10 {offsets = [40, 0], sizes = [1, 128], strides = [1, 1]} : vector<64x128xf32> to vector<1x128xf32>
    %mul3A_484 = vector.broadcast %slice3A_483 : vector<1x128xf32> to vector<256x128xf32>
    %mul3A_485 = arith.mulf %mul3A_482, %mul3A_484 : vector<256x128xf32>
    %swap3A_486 = arith.constant 0 : index
    %swap3A_487 = arith.constant 5120 : index
    %swap3A_488 = vector.load %arg12[%swap3A_486, %swap3A_487] : memref<256x8192xf32, #tpu.memory_space<vmem>>, vector<256x128xf32>
    tpu.vector_store %arg12[%swap3A_486, %swap3A_487], %mul3A_485 {strides = array<i32>} : memref<256x8192xf32, #tpu.memory_space<vmem>>, vector<256x128xf32>,
    %get3A_489 = arith.constant 0 : index
    %get3A_490 = arith.constant 41 : index
    %get3A_491 = vector.load %arg1[%get3A_489, %get3A_490] : memref<256x64xf32, #tpu.memory_space<vmem>>, vector<256x1xf32>
    %mul3A_492 = vector.broadcast %get3A_491 : vector<256x1xf32> to vector<256x128xf32>
    %mul3A_493 = arith.mulf %mul3A_492, %get3A_1 : vector<256x128xf32>
    %slice3A_494 = vector.extract_strided_slice %convert_element_type3A_10 {offsets = [41, 0], sizes = [1, 128], strides = [1, 1]} : vector<64x128xf32> to vector<1x128xf32>
    %mul3A_495 = vector.broadcast %slice3A_494 : vector<1x128xf32> to vector<256x128xf32>
    %mul3A_496 = arith.mulf %mul3A_493, %mul3A_495 : vector<256x128xf32>
    %swap3A_497 = arith.constant 0 : index
    %swap3A_498 = arith.constant 5248 : index
    %swap3A_499 = vector.load %arg12[%swap3A_497, %swap3A_498] : memref<256x8192xf32, #tpu.memory_space<vmem>>, vector<256x128xf32>
    tpu.vector_store %arg12[%swap3A_497, %swap3A_498], %mul3A_496 {strides = array<i32>} : memref<256x8192xf32, #tpu.memory_space<vmem>>, vector<256x128xf32>,
    %get3A_500 = arith.constant 0 : index
    %get3A_501 = arith.constant 42 : index
    %get3A_502 = vector.load %arg1[%get3A_500, %get3A_501] : memref<256x64xf32, #tpu.memory_space<vmem>>, vector<256x1xf32>
    %mul3A_503 = vector.broadcast %get3A_502 : vector<256x1xf32> to vector<256x128xf32>
    %mul3A_504 = arith.mulf %mul3A_503, %get3A_1 : vector<256x128xf32>
    %slice3A_505 = vector.extract_strided_slice %convert_element_type3A_10 {offsets = [42, 0], sizes = [1, 128], strides = [1, 1]} : vector<64x128xf32> to vector<1x128xf32>
    %mul3A_506 = vector.broadcast %slice3A_505 : vector<1x128xf32> to vector<256x128xf32>
    %mul3A_507 = arith.mulf %mul3A_504, %mul3A_506 : vector<256x128xf32>
    %swap3A_508 = arith.constant 0 : index
    %swap3A_509 = arith.constant 5376 : index
    %swap3A_510 = vector.load %arg12[%swap3A_508, %swap3A_509] : memref<256x8192xf32, #tpu.memory_space<vmem>>, vector<256x128xf32>
    tpu.vector_store %arg12[%swap3A_508, %swap3A_509], %mul3A_507 {strides = array<i32>} : memref<256x8192xf32, #tpu.memory_space<vmem>>, vector<256x128xf32>,
    %get3A_511 = arith.constant 0 : index
    %get3A_512 = arith.constant 43 : index
    %get3A_513 = vector.load %arg1[%get3A_511, %get3A_512] : memref<256x64xf32, #tpu.memory_space<vmem>>, vector<256x1xf32>
    %mul3A_514 = vector.broadcast %get3A_513 : vector<256x1xf32> to vector<256x128xf32>
    %mul3A_515 = arith.mulf %mul3A_514, %get3A_1 : vector<256x128xf32>
    %slice3A_516 = vector.extract_strided_slice %convert_element_type3A_10 {offsets = [43, 0], sizes = [1, 128], strides = [1, 1]} : vector<64x128xf32> to vector<1x128xf32>
    %mul3A_517 = vector.broadcast %slice3A_516 : vector<1x128xf32> to vector<256x128xf32>
    %mul3A_518 = arith.mulf %mul3A_515, %mul3A_517 : vector<256x128xf32>
    %swap3A_519 = arith.constant 0 : index
    %swap3A_520 = arith.constant 5504 : index
    %swap3A_521 = vector.load %arg12[%swap3A_519, %swap3A_520] : memref<256x8192xf32, #tpu.memory_space<vmem>>, vector<256x128xf32>
    tpu.vector_store %arg12[%swap3A_519, %swap3A_520], %mul3A_518 {strides = array<i32>} : memref<256x8192xf32, #tpu.memory_space<vmem>>, vector<256x128xf32>,
    %get3A_522 = arith.constant 0 : index
    %get3A_523 = arith.constant 44 : index
    %get3A_524 = vector.load %arg1[%get3A_522, %get3A_523] : memref<256x64xf32, #tpu.memory_space<vmem>>, vector<256x1xf32>
    %mul3A_525 = vector.broadcast %get3A_524 : vector<256x1xf32> to vector<256x128xf32>
    %mul3A_526 = arith.mulf %mul3A_525, %get3A_1 : vector<256x128xf32>
    %slice3A_527 = vector.extract_strided_slice %convert_element_type3A_10 {offsets = [44, 0], sizes = [1, 128], strides = [1, 1]} : vector<64x128xf32> to vector<1x128xf32>
    %mul3A_528 = vector.broadcast %slice3A_527 : vector<1x128xf32> to vector<256x128xf32>
    %mul3A_529 = arith.mulf %mul3A_526, %mul3A_528 : vector<256x128xf32>
    %swap3A_530 = arith.constant 0 : index
    %swap3A_531 = arith.constant 5632 : index
    %swap3A_532 = vector.load %arg12[%swap3A_530, %swap3A_531] : memref<256x8192xf32, #tpu.memory_space<vmem>>, vector<256x128xf32>
    tpu.vector_store %arg12[%swap3A_530, %swap3A_531], %mul3A_529 {strides = array<i32>} : memref<256x8192xf32, #tpu.memory_space<vmem>>, vector<256x128xf32>,
    %get3A_533 = arith.constant 0 : index
    %get3A_534 = arith.constant 45 : index
    %get3A_535 = vector.load %arg1[%get3A_533, %get3A_534] : memref<256x64xf32, #tpu.memory_space<vmem>>, vector<256x1xf32>
    %mul3A_536 = vector.broadcast %get3A_535 : vector<256x1xf32> to vector<256x128xf32>
    %mul3A_537 = arith.mulf %mul3A_536, %get3A_1 : vector<256x128xf32>
    %slice3A_538 = vector.extract_strided_slice %convert_element_type3A_10 {offsets = [45, 0], sizes = [1, 128], strides = [1, 1]} : vector<64x128xf32> to vector<1x128xf32>
    %mul3A_539 = vector.broadcast %slice3A_538 : vector<1x128xf32> to vector<256x128xf32>
    %mul3A_540 = arith.mulf %mul3A_537, %mul3A_539 : vector<256x128xf32>
    %swap3A_541 = arith.constant 0 : index
    %swap3A_542 = arith.constant 5760 : index
    %swap3A_543 = vector.load %arg12[%swap3A_541, %swap3A_542] : memref<256x8192xf32, #tpu.memory_space<vmem>>, vector<256x128xf32>
    tpu.vector_store %arg12[%swap3A_541, %swap3A_542], %mul3A_540 {strides = array<i32>} : memref<256x8192xf32, #tpu.memory_space<vmem>>, vector<256x128xf32>,
    %get3A_544 = arith.constant 0 : index
    %get3A_545 = arith.constant 46 : index
    %get3A_546 = vector.load %arg1[%get3A_544, %get3A_545] : memref<256x64xf32, #tpu.memory_space<vmem>>, vector<256x1xf32>
    %mul3A_547 = vector.broadcast %get3A_546 : vector<256x1xf32> to vector<256x128xf32>
    %mul3A_548 = arith.mulf %mul3A_547, %get3A_1 : vector<256x128xf32>
    %slice3A_549 = vector.extract_strided_slice %convert_element_type3A_10 {offsets = [46, 0], sizes = [1, 128], strides = [1, 1]} : vector<64x128xf32> to vector<1x128xf32>
    %mul3A_550 = vector.broadcast %slice3A_549 : vector<1x128xf32> to vector<256x128xf32>
    %mul3A_551 = arith.mulf %mul3A_548, %mul3A_550 : vector<256x128xf32>
    %swap3A_552 = arith.constant 0 : index
    %swap3A_553 = arith.constant 5888 : index
    %swap3A_554 = vector.load %arg12[%swap3A_552, %swap3A_553] : memref<256x8192xf32, #tpu.memory_space<vmem>>, vector<256x128xf32>
    tpu.vector_store %arg12[%swap3A_552, %swap3A_553], %mul3A_551 {strides = array<i32>} : memref<256x8192xf32, #tpu.memory_space<vmem>>, vector<256x128xf32>,
    %get3A_555 = arith.constant 0 : index
    %get3A_556 = arith.constant 47 : index
    %get3A_557 = vector.load %arg1[%get3A_555, %get3A_556] : memref<256x64xf32, #tpu.memory_space<vmem>>, vector<256x1xf32>
    %mul3A_558 = vector.broadcast %get3A_557 : vector<256x1xf32> to vector<256x128xf32>
    %mul3A_559 = arith.mulf %mul3A_558, %get3A_1 : vector<256x128xf32>
    %slice3A_560 = vector.extract_strided_slice %convert_element_type3A_10 {offsets = [47, 0], sizes = [1, 128], strides = [1, 1]} : vector<64x128xf32> to vector<1x128xf32>
    %mul3A_561 = vector.broadcast %slice3A_560 : vector<1x128xf32> to vector<256x128xf32>
    %mul3A_562 = arith.mulf %mul3A_559, %mul3A_561 : vector<256x128xf32>
    %swap3A_563 = arith.constant 0 : index
    %swap3A_564 = arith.constant 6016 : index
    %swap3A_565 = vector.load %arg12[%swap3A_563, %swap3A_564] : memref<256x8192xf32, #tpu.memory_space<vmem>>, vector<256x128xf32>
    tpu.vector_store %arg12[%swap3A_563, %swap3A_564], %mul3A_562 {strides = array<i32>} : memref<256x8192xf32, #tpu.memory_space<vmem>>, vector<256x128xf32>,
    %get3A_566 = arith.constant 0 : index
    %get3A_567 = arith.constant 48 : index
    %get3A_568 = vector.load %arg1[%get3A_566, %get3A_567] : memref<256x64xf32, #tpu.memory_space<vmem>>, vector<256x1xf32>
    %mul3A_569 = vector.broadcast %get3A_568 : vector<256x1xf32> to vector<256x128xf32>
    %mul3A_570 = arith.mulf %mul3A_569, %get3A_1 : vector<256x128xf32>
    %slice3A_571 = vector.extract_strided_slice %convert_element_type3A_10 {offsets = [48, 0], sizes = [1, 128], strides = [1, 1]} : vector<64x128xf32> to vector<1x128xf32>
    %mul3A_572 = vector.broadcast %slice3A_571 : vector<1x128xf32> to vector<256x128xf32>
    %mul3A_573 = arith.mulf %mul3A_570, %mul3A_572 : vector<256x128xf32>
    %swap3A_574 = arith.constant 0 : index
    %swap3A_575 = arith.constant 6144 : index
    %swap3A_576 = vector.load %arg12[%swap3A_574, %swap3A_575] : memref<256x8192xf32, #tpu.memory_space<vmem>>, vector<256x128xf32>
    tpu.vector_store %arg12[%swap3A_574, %swap3A_575], %mul3A_573 {strides = array<i32>} : memref<256x8192xf32, #tpu.memory_space<vmem>>, vector<256x128xf32>,
    %get3A_577 = arith.constant 0 : index
    %get3A_578 = arith.constant 49 : index
    %get3A_579 = vector.load %arg1[%get3A_577, %get3A_578] : memref<256x64xf32, #tpu.memory_space<vmem>>, vector<256x1xf32>
    %mul3A_580 = vector.broadcast %get3A_579 : vector<256x1xf32> to vector<256x128xf32>
    %mul3A_581 = arith.mulf %mul3A_580, %get3A_1 : vector<256x128xf32>
    %slice3A_582 = vector.extract_strided_slice %convert_element_type3A_10 {offsets = [49, 0], sizes = [1, 128], strides = [1, 1]} : vector<64x128xf32> to vector<1x128xf32>
    %mul3A_583 = vector.broadcast %slice3A_582 : vector<1x128xf32> to vector<256x128xf32>
    %mul3A_584 = arith.mulf %mul3A_581, %mul3A_583 : vector<256x128xf32>
    %swap3A_585 = arith.constant 0 : index
    %swap3A_586 = arith.constant 6272 : index
    %swap3A_587 = vector.load %arg12[%swap3A_585, %swap3A_586] : memref<256x8192xf32, #tpu.memory_space<vmem>>, vector<256x128xf32>
    tpu.vector_store %arg12[%swap3A_585, %swap3A_586], %mul3A_584 {strides = array<i32>} : memref<256x8192xf32, #tpu.memory_space<vmem>>, vector<256x128xf32>,
    %get3A_588 = arith.constant 0 : index
    %get3A_589 = arith.constant 50 : index
    %get3A_590 = vector.load %arg1[%get3A_588, %get3A_589] : memref<256x64xf32, #tpu.memory_space<vmem>>, vector<256x1xf32>
    %mul3A_591 = vector.broadcast %get3A_590 : vector<256x1xf32> to vector<256x128xf32>
    %mul3A_592 = arith.mulf %mul3A_591, %get3A_1 : vector<256x128xf32>
    %slice3A_593 = vector.extract_strided_slice %convert_element_type3A_10 {offsets = [50, 0], sizes = [1, 128], strides = [1, 1]} : vector<64x128xf32> to vector<1x128xf32>
    %mul3A_594 = vector.broadcast %slice3A_593 : vector<1x128xf32> to vector<256x128xf32>
    %mul3A_595 = arith.mulf %mul3A_592, %mul3A_594 : vector<256x128xf32>
    %swap3A_596 = arith.constant 0 : index
    %swap3A_597 = arith.constant 6400 : index
    %swap3A_598 = vector.load %arg12[%swap3A_596, %swap3A_597] : memref<256x8192xf32, #tpu.memory_space<vmem>>, vector<256x128xf32>
    tpu.vector_store %arg12[%swap3A_596, %swap3A_597], %mul3A_595 {strides = array<i32>} : memref<256x8192xf32, #tpu.memory_space<vmem>>, vector<256x128xf32>,
    %get3A_599 = arith.constant 0 : index
    %get3A_600 = arith.constant 51 : index
    %get3A_601 = vector.load %arg1[%get3A_599, %get3A_600] : memref<256x64xf32, #tpu.memory_space<vmem>>, vector<256x1xf32>
    %mul3A_602 = vector.broadcast %get3A_601 : vector<256x1xf32> to vector<256x128xf32>
    %mul3A_603 = arith.mulf %mul3A_602, %get3A_1 : vector<256x128xf32>
    %slice3A_604 = vector.extract_strided_slice %convert_element_type3A_10 {offsets = [51, 0], sizes = [1, 128], strides = [1, 1]} : vector<64x128xf32> to vector<1x128xf32>
    %mul3A_605 = vector.broadcast %slice3A_604 : vector<1x128xf32> to vector<256x128xf32>
    %mul3A_606 = arith.mulf %mul3A_603, %mul3A_605 : vector<256x128xf32>
    %swap3A_607 = arith.constant 0 : index
    %swap3A_608 = arith.constant 6528 : index
    %swap3A_609 = vector.load %arg12[%swap3A_607, %swap3A_608] : memref<256x8192xf32, #tpu.memory_space<vmem>>, vector<256x128xf32>
    tpu.vector_store %arg12[%swap3A_607, %swap3A_608], %mul3A_606 {strides = array<i32>} : memref<256x8192xf32, #tpu.memory_space<vmem>>, vector<256x128xf32>,
    %get3A_610 = arith.constant 0 : index
    %get3A_611 = arith.constant 52 : index
    %get3A_612 = vector.load %arg1[%get3A_610, %get3A_611] : memref<256x64xf32, #tpu.memory_space<vmem>>, vector<256x1xf32>
    %mul3A_613 = vector.broadcast %get3A_612 : vector<256x1xf32> to vector<256x128xf32>
    %mul3A_614 = arith.mulf %mul3A_613, %get3A_1 : vector<256x128xf32>
    %slice3A_615 = vector.extract_strided_slice %convert_element_type3A_10 {offsets = [52, 0], sizes = [1, 128], strides = [1, 1]} : vector<64x128xf32> to vector<1x128xf32>
    %mul3A_616 = vector.broadcast %slice3A_615 : vector<1x128xf32> to vector<256x128xf32>
    %mul3A_617 = arith.mulf %mul3A_614, %mul3A_616 : vector<256x128xf32>
    %swap3A_618 = arith.constant 0 : index
    %swap3A_619 = arith.constant 6656 : index
    %swap3A_620 = vector.load %arg12[%swap3A_618, %swap3A_619] : memref<256x8192xf32, #tpu.memory_space<vmem>>, vector<256x128xf32>
    tpu.vector_store %arg12[%swap3A_618, %swap3A_619], %mul3A_617 {strides = array<i32>} : memref<256x8192xf32, #tpu.memory_space<vmem>>, vector<256x128xf32>,
    %get3A_621 = arith.constant 0 : index
    %get3A_622 = arith.constant 53 : index
    %get3A_623 = vector.load %arg1[%get3A_621, %get3A_622] : memref<256x64xf32, #tpu.memory_space<vmem>>, vector<256x1xf32>
    %mul3A_624 = vector.broadcast %get3A_623 : vector<256x1xf32> to vector<256x128xf32>
    %mul3A_625 = arith.mulf %mul3A_624, %get3A_1 : vector<256x128xf32>
    %slice3A_626 = vector.extract_strided_slice %convert_element_type3A_10 {offsets = [53, 0], sizes = [1, 128], strides = [1, 1]} : vector<64x128xf32> to vector<1x128xf32>
    %mul3A_627 = vector.broadcast %slice3A_626 : vector<1x128xf32> to vector<256x128xf32>
    %mul3A_628 = arith.mulf %mul3A_625, %mul3A_627 : vector<256x128xf32>
    %swap3A_629 = arith.constant 0 : index
    %swap3A_630 = arith.constant 6784 : index
    %swap3A_631 = vector.load %arg12[%swap3A_629, %swap3A_630] : memref<256x8192xf32, #tpu.memory_space<vmem>>, vector<256x128xf32>
    tpu.vector_store %arg12[%swap3A_629, %swap3A_630], %mul3A_628 {strides = array<i32>} : memref<256x8192xf32, #tpu.memory_space<vmem>>, vector<256x128xf32>,
    %get3A_632 = arith.constant 0 : index
    %get3A_633 = arith.constant 54 : index
    %get3A_634 = vector.load %arg1[%get3A_632, %get3A_633] : memref<256x64xf32, #tpu.memory_space<vmem>>, vector<256x1xf32>
    %mul3A_635 = vector.broadcast %get3A_634 : vector<256x1xf32> to vector<256x128xf32>
    %mul3A_636 = arith.mulf %mul3A_635, %get3A_1 : vector<256x128xf32>
    %slice3A_637 = vector.extract_strided_slice %convert_element_type3A_10 {offsets = [54, 0], sizes = [1, 128], strides = [1, 1]} : vector<64x128xf32> to vector<1x128xf32>
    %mul3A_638 = vector.broadcast %slice3A_637 : vector<1x128xf32> to vector<256x128xf32>
    %mul3A_639 = arith.mulf %mul3A_636, %mul3A_638 : vector<256x128xf32>
    %swap3A_640 = arith.constant 0 : index
    %swap3A_641 = arith.constant 6912 : index
    %swap3A_642 = vector.load %arg12[%swap3A_640, %swap3A_641] : memref<256x8192xf32, #tpu.memory_space<vmem>>, vector<256x128xf32>
    tpu.vector_store %arg12[%swap3A_640, %swap3A_641], %mul3A_639 {strides = array<i32>} : memref<256x8192xf32, #tpu.memory_space<vmem>>, vector<256x128xf32>,
    %get3A_643 = arith.constant 0 : index
    %get3A_644 = arith.constant 55 : index
    %get3A_645 = vector.load %arg1[%get3A_643, %get3A_644] : memref<256x64xf32, #tpu.memory_space<vmem>>, vector<256x1xf32>
    %mul3A_646 = vector.broadcast %get3A_645 : vector<256x1xf32> to vector<256x128xf32>
    %mul3A_647 = arith.mulf %mul3A_646, %get3A_1 : vector<256x128xf32>
    %slice3A_648 = vector.extract_strided_slice %convert_element_type3A_10 {offsets = [55, 0], sizes = [1, 128], strides = [1, 1]} : vector<64x128xf32> to vector<1x128xf32>
    %mul3A_649 = vector.broadcast %slice3A_648 : vector<1x128xf32> to vector<256x128xf32>
    %mul3A_650 = arith.mulf %mul3A_647, %mul3A_649 : vector<256x128xf32>
    %swap3A_651 = arith.constant 0 : index
    %swap3A_652 = arith.constant 7040 : index
    %swap3A_653 = vector.load %arg12[%swap3A_651, %swap3A_652] : memref<256x8192xf32, #tpu.memory_space<vmem>>, vector<256x128xf32>
    tpu.vector_store %arg12[%swap3A_651, %swap3A_652], %mul3A_650 {strides = array<i32>} : memref<256x8192xf32, #tpu.memory_space<vmem>>, vector<256x128xf32>,
    %get3A_654 = arith.constant 0 : index
    %get3A_655 = arith.constant 56 : index
    %get3A_656 = vector.load %arg1[%get3A_654, %get3A_655] : memref<256x64xf32, #tpu.memory_space<vmem>>, vector<256x1xf32>
    %mul3A_657 = vector.broadcast %get3A_656 : vector<256x1xf32> to vector<256x128xf32>
    %mul3A_658 = arith.mulf %mul3A_657, %get3A_1 : vector<256x128xf32>
    %slice3A_659 = vector.extract_strided_slice %convert_element_type3A_10 {offsets = [56, 0], sizes = [1, 128], strides = [1, 1]} : vector<64x128xf32> to vector<1x128xf32>
    %mul3A_660 = vector.broadcast %slice3A_659 : vector<1x128xf32> to vector<256x128xf32>
    %mul3A_661 = arith.mulf %mul3A_658, %mul3A_660 : vector<256x128xf32>
    %swap3A_662 = arith.constant 0 : index
    %swap3A_663 = arith.constant 7168 : index
    %swap3A_664 = vector.load %arg12[%swap3A_662, %swap3A_663] : memref<256x8192xf32, #tpu.memory_space<vmem>>, vector<256x128xf32>
    tpu.vector_store %arg12[%swap3A_662, %swap3A_663], %mul3A_661 {strides = array<i32>} : memref<256x8192xf32, #tpu.memory_space<vmem>>, vector<256x128xf32>,
    %get3A_665 = arith.constant 0 : index
    %get3A_666 = arith.constant 57 : index
    %get3A_667 = vector.load %arg1[%get3A_665, %get3A_666] : memref<256x64xf32, #tpu.memory_space<vmem>>, vector<256x1xf32>
    %mul3A_668 = vector.broadcast %get3A_667 : vector<256x1xf32> to vector<256x128xf32>
    %mul3A_669 = arith.mulf %mul3A_668, %get3A_1 : vector<256x128xf32>
    %slice3A_670 = vector.extract_strided_slice %convert_element_type3A_10 {offsets = [57, 0], sizes = [1, 128], strides = [1, 1]} : vector<64x128xf32> to vector<1x128xf32>
    %mul3A_671 = vector.broadcast %slice3A_670 : vector<1x128xf32> to vector<256x128xf32>
    %mul3A_672 = arith.mulf %mul3A_669, %mul3A_671 : vector<256x128xf32>
    %swap3A_673 = arith.constant 0 : index
    %swap3A_674 = arith.constant 7296 : index
    %swap3A_675 = vector.load %arg12[%swap3A_673, %swap3A_674] : memref<256x8192xf32, #tpu.memory_space<vmem>>, vector<256x128xf32>
    tpu.vector_store %arg12[%swap3A_673, %swap3A_674], %mul3A_672 {strides = array<i32>} : memref<256x8192xf32, #tpu.memory_space<vmem>>, vector<256x128xf32>,
    %get3A_676 = arith.constant 0 : index
    %get3A_677 = arith.constant 58 : index
    %get3A_678 = vector.load %arg1[%get3A_676, %get3A_677] : memref<256x64xf32, #tpu.memory_space<vmem>>, vector<256x1xf32>
    %mul3A_679 = vector.broadcast %get3A_678 : vector<256x1xf32> to vector<256x128xf32>
    %mul3A_680 = arith.mulf %mul3A_679, %get3A_1 : vector<256x128xf32>
    %slice3A_681 = vector.extract_strided_slice %convert_element_type3A_10 {offsets = [58, 0], sizes = [1, 128], strides = [1, 1]} : vector<64x128xf32> to vector<1x128xf32>
    %mul3A_682 = vector.broadcast %slice3A_681 : vector<1x128xf32> to vector<256x128xf32>
    %mul3A_683 = arith.mulf %mul3A_680, %mul3A_682 : vector<256x128xf32>
    %swap3A_684 = arith.constant 0 : index
    %swap3A_685 = arith.constant 7424 : index
    %swap3A_686 = vector.load %arg12[%swap3A_684, %swap3A_685] : memref<256x8192xf32, #tpu.memory_space<vmem>>, vector<256x128xf32>
    tpu.vector_store %arg12[%swap3A_684, %swap3A_685], %mul3A_683 {strides = array<i32>} : memref<256x8192xf32, #tpu.memory_space<vmem>>, vector<256x128xf32>,
    %get3A_687 = arith.constant 0 : index
    %get3A_688 = arith.constant 59 : index
    %get3A_689 = vector.load %arg1[%get3A_687, %get3A_688] : memref<256x64xf32, #tpu.memory_space<vmem>>, vector<256x1xf32>
    %mul3A_690 = vector.broadcast %get3A_689 : vector<256x1xf32> to vector<256x128xf32>
    %mul3A_691 = arith.mulf %mul3A_690, %get3A_1 : vector<256x128xf32>
    %slice3A_692 = vector.extract_strided_slice %convert_element_type3A_10 {offsets = [59, 0], sizes = [1, 128], strides = [1, 1]} : vector<64x128xf32> to vector<1x128xf32>
    %mul3A_693 = vector.broadcast %slice3A_692 : vector<1x128xf32> to vector<256x128xf32>
    %mul3A_694 = arith.mulf %mul3A_691, %mul3A_693 : vector<256x128xf32>
    %swap3A_695 = arith.constant 0 : index
    %swap3A_696 = arith.constant 7552 : index
    %swap3A_697 = vector.load %arg12[%swap3A_695, %swap3A_696] : memref<256x8192xf32, #tpu.memory_space<vmem>>, vector<256x128xf32>
    tpu.vector_store %arg12[%swap3A_695, %swap3A_696], %mul3A_694 {strides = array<i32>} : memref<256x8192xf32, #tpu.memory_space<vmem>>, vector<256x128xf32>,
    %get3A_698 = arith.constant 0 : index
    %get3A_699 = arith.constant 60 : index
    %get3A_700 = vector.load %arg1[%get3A_698, %get3A_699] : memref<256x64xf32, #tpu.memory_space<vmem>>, vector<256x1xf32>
    %mul3A_701 = vector.broadcast %get3A_700 : vector<256x1xf32> to vector<256x128xf32>
    %mul3A_702 = arith.mulf %mul3A_701, %get3A_1 : vector<256x128xf32>
    %slice3A_703 = vector.extract_strided_slice %convert_element_type3A_10 {offsets = [60, 0], sizes = [1, 128], strides = [1, 1]} : vector<64x128xf32> to vector<1x128xf32>
    %mul3A_704 = vector.broadcast %slice3A_703 : vector<1x128xf32> to vector<256x128xf32>
    %mul3A_705 = arith.mulf %mul3A_702, %mul3A_704 : vector<256x128xf32>
    %swap3A_706 = arith.constant 0 : index
    %swap3A_707 = arith.constant 7680 : index
    %swap3A_708 = vector.load %arg12[%swap3A_706, %swap3A_707] : memref<256x8192xf32, #tpu.memory_space<vmem>>, vector<256x128xf32>
    tpu.vector_store %arg12[%swap3A_706, %swap3A_707], %mul3A_705 {strides = array<i32>} : memref<256x8192xf32, #tpu.memory_space<vmem>>, vector<256x128xf32>,
    %get3A_709 = arith.constant 0 : index
    %get3A_710 = arith.constant 61 : index
    %get3A_711 = vector.load %arg1[%get3A_709, %get3A_710] : memref<256x64xf32, #tpu.memory_space<vmem>>, vector<256x1xf32>
    %mul3A_712 = vector.broadcast %get3A_711 : vector<256x1xf32> to vector<256x128xf32>
    %mul3A_713 = arith.mulf %mul3A_712, %get3A_1 : vector<256x128xf32>
    %slice3A_714 = vector.extract_strided_slice %convert_element_type3A_10 {offsets = [61, 0], sizes = [1, 128], strides = [1, 1]} : vector<64x128xf32> to vector<1x128xf32>
    %mul3A_715 = vector.broadcast %slice3A_714 : vector<1x128xf32> to vector<256x128xf32>
    %mul3A_716 = arith.mulf %mul3A_713, %mul3A_715 : vector<256x128xf32>
    %swap3A_717 = arith.constant 0 : index
    %swap3A_718 = arith.constant 7808 : index
    %swap3A_719 = vector.load %arg12[%swap3A_717, %swap3A_718] : memref<256x8192xf32, #tpu.memory_space<vmem>>, vector<256x128xf32>
    tpu.vector_store %arg12[%swap3A_717, %swap3A_718], %mul3A_716 {strides = array<i32>} : memref<256x8192xf32, #tpu.memory_space<vmem>>, vector<256x128xf32>,
    %get3A_720 = arith.constant 0 : index
    %get3A_721 = arith.constant 62 : index
    %get3A_722 = vector.load %arg1[%get3A_720, %get3A_721] : memref<256x64xf32, #tpu.memory_space<vmem>>, vector<256x1xf32>
    %mul3A_723 = vector.broadcast %get3A_722 : vector<256x1xf32> to vector<256x128xf32>
    %mul3A_724 = arith.mulf %mul3A_723, %get3A_1 : vector<256x128xf32>
    %slice3A_725 = vector.extract_strided_slice %convert_element_type3A_10 {offsets = [62, 0], sizes = [1, 128], strides = [1, 1]} : vector<64x128xf32> to vector<1x128xf32>
    %mul3A_726 = vector.broadcast %slice3A_725 : vector<1x128xf32> to vector<256x128xf32>
    %mul3A_727 = arith.mulf %mul3A_724, %mul3A_726 : vector<256x128xf32>
    %swap3A_728 = arith.constant 0 : index
    %swap3A_729 = arith.constant 7936 : index
    %swap3A_730 = vector.load %arg12[%swap3A_728, %swap3A_729] : memref<256x8192xf32, #tpu.memory_space<vmem>>, vector<256x128xf32>
    tpu.vector_store %arg12[%swap3A_728, %swap3A_729], %mul3A_727 {strides = array<i32>} : memref<256x8192xf32, #tpu.memory_space<vmem>>, vector<256x128xf32>,
    %get3A_731 = arith.constant 0 : index
    %get3A_732 = arith.constant 63 : index
    %get3A_733 = vector.load %arg1[%get3A_731, %get3A_732] : memref<256x64xf32, #tpu.memory_space<vmem>>, vector<256x1xf32>
    %mul3A_734 = vector.broadcast %get3A_733 : vector<256x1xf32> to vector<256x128xf32>
    %mul3A_735 = arith.mulf %mul3A_734, %get3A_1 : vector<256x128xf32>
    %slice3A_736 = vector.extract_strided_slice %convert_element_type3A_10 {offsets = [63, 0], sizes = [1, 128], strides = [1, 1]} : vector<64x128xf32> to vector<1x128xf32>
    %mul3A_737 = vector.broadcast %slice3A_736 : vector<1x128xf32> to vector<256x128xf32>
    %mul3A_738 = arith.mulf %mul3A_735, %mul3A_737 : vector<256x128xf32>
    %swap3A_739 = arith.constant 0 : index
    %swap3A_740 = arith.constant 8064 : index
    %swap3A_741 = vector.load %arg12[%swap3A_739, %swap3A_740] : memref<256x8192xf32, #tpu.memory_space<vmem>>, vector<256x128xf32>
    tpu.vector_store %arg12[%swap3A_739, %swap3A_740], %mul3A_738 {strides = array<i32>} : memref<256x8192xf32, #tpu.memory_space<vmem>>, vector<256x128xf32>,
    %get3A_742 = arith.constant 0 : index
    %get3A_743 = arith.constant 0 : index
    %get3A_744 = vector.load %arg12[%get3A_742, %get3A_743] : memref<256x8192xf32, #tpu.memory_space<vmem>>, vector<256x8192xf32>
    %get3A_745 = arith.constant 0 : index
    %get3A_746 = arith.constant 0 : index
    %get3A_747 = vector.load %arg7[%get3A_745, %get3A_746] : memref<8192x256xf32, #tpu.memory_space<vmem>>, vector<8192x256xf32>
    %dot_general3A_748 = arith.constant dense<0.000000e+00> : vector<256x256xf32>
    %dot_general3A_749 = tpu.matmul %get3A_744, %get3A_747, %dot_general3A_748 {dimension_numbers = #tpu.dot_dimension_numbers<[1], [0], [0], [1], [0, 0, 1, 1], [], []>, transpose_lhs_hint = false} : vector<256x8192xf32>, vector<8192x256xf32>, vector<256x256xf32> -> vector<256x256xf32>
    %get3A_750 = arith.constant 0 : index
    %get3A_751 = arith.constant 0 : index
    %get3A_752 = vector.load %arg8[%get3A_750, %get3A_751] : memref<8192x256xf32, #tpu.memory_space<vmem>>, vector<8192x256xf32>
    %dot_general3A_753 = arith.constant dense<0.000000e+00> : vector<256x256xf32>
    %dot_general3A_754 = tpu.matmul %get3A_744, %get3A_752, %dot_general3A_753 {dimension_numbers = #tpu.dot_dimension_numbers<[1], [0], [0], [1], [0, 0, 1, 1], [], []>, transpose_lhs_hint = false} : vector<256x8192xf32>, vector<8192x256xf32>, vector<256x256xf32> -> vector<256x256xf32>
    %mul3A_755 = vector.broadcast %select_n3A : vector<256x1xf32> to vector<256x256xf32>
    %mul3A_756 = arith.mulf %dot_general3A_749, %mul3A_755 : vector<256x256xf32>
    %mul3A_757 = vector.broadcast %select_n3A : vector<256x1xf32> to vector<256x256xf32>
    %mul3A_758 = arith.mulf %dot_general3A_754, %mul3A_757 : vector<256x256xf32>
    %mul3A_759 = arith.mulf %broadcast_in_dim3A_29, %select_n3A : vector<256x1xf32>
    %swap3A_760 = arith.constant 0 : index
    %swap3A_761 = arith.constant 0 : index
    %swap3A_762 = vector.load %arg9[%swap3A_760, %swap3A_761] : memref<256x256xf32, #tpu.memory_space<vmem>>, vector<256x256xf32>
    tpu.vector_store %arg9[%swap3A_760, %swap3A_761], %mul3A_756 {strides = array<i32>} : memref<256x256xf32, #tpu.memory_space<vmem>>, vector<256x256xf32>,
    %swap3A_763 = arith.constant 0 : index
    %swap3A_764 = arith.constant 0 : index
    %swap3A_765 = vector.load %arg10[%swap3A_763, %swap3A_764] : memref<256x256xf32, #tpu.memory_space<vmem>>, vector<256x256xf32>
    tpu.vector_store %arg10[%swap3A_763, %swap3A_764], %mul3A_758 {strides = array<i32>} : memref<256x256xf32, #tpu.memory_space<vmem>>, vector<256x256xf32>,
    %mul3A_766 = vector.broadcast %select_n3A : vector<256x1xf32> to vector<256x8192xf32>
    %mul3A_767 = arith.mulf %get3A_744, %mul3A_766 : vector<256x8192xf32>
    %swap3A_768 = arith.constant 0 : index
    %swap3A_769 = arith.constant 0 : index
    %swap3A_770 = vector.load %arg12[%swap3A_768, %swap3A_769] : memref<256x8192xf32, #tpu.memory_space<vmem>>, vector<256x8192xf32>
    tpu.vector_store %arg12[%swap3A_768, %swap3A_769], %mul3A_767 {strides = array<i32>} : memref<256x8192xf32, #tpu.memory_space<vmem>>, vector<256x8192xf32>,
    %get3A_771 = arith.constant 0 : index
    %get3A_772 = arith.constant 0 : index
    %get3A_773 = vector.load %arg3[%get3A_771, %get3A_772] : memref<256x256xf32, #tpu.memory_space<vmem>>, vector<256x256xf32>
    %mul3A_774 = arith.mulf %get3A_773, %get3A_773 : vector<256x256xf32>
    %reduce_sum3A_775 = arith.constant dense<0.000000e+00> : vector<256xf32>
    %reduce_sum3A_776 = vector.multi_reduction <add>, %mul3A_774, %reduce_sum3A_775 [1] : vector<256x256xf32> to vector<256xf32>
    %broadcast_in_dim3A_777 = vector.shape_cast %reduce_sum3A_776 : vector<256xf32> to vector<256x1xf32>
    %sqrt3A = math.sqrt %broadcast_in_dim3A_777 : vector<256x1xf32>
    %max3A_778 = arith.constant 9.99999996E-13 : f32
    %max3A_779 = vector.broadcast %max3A_778 : f32 to vector<256x1xf32>
    %max3A_780 = arith.maximumf %sqrt3A, %max3A_779 : vector<256x1xf32>
    %div3A_781 = vector.broadcast %max3A_780 : vector<256x1xf32> to vector<256x256xf32>
    %div3A_782 = arith.divf %get3A_773, %div3A_781 : vector<256x256xf32>
    %add3A = arith.constant 9.99999997E-7 : f32
    %add3A_783 = vector.broadcast %add3A : f32 to vector<256x256xf32>
    %add3A_784 = arith.addf %mul3A_758, %add3A_783 : vector<256x256xf32>
    %mul3A_785 = arith.mulf %add3A_784, %add3A_784 : vector<256x256xf32>
    %reduce_sum3A_786 = arith.constant dense<0.000000e+00> : vector<256xf32>
    %reduce_sum3A_787 = vector.multi_reduction <add>, %mul3A_785, %reduce_sum3A_786 [1] : vector<256x256xf32> to vector<256xf32>
    %broadcast_in_dim3A_788 = vector.shape_cast %reduce_sum3A_787 : vector<256xf32> to vector<256x1xf32>
    %sqrt3A_789 = math.sqrt %broadcast_in_dim3A_788 : vector<256x1xf32>
    %max3A_790 = arith.constant 9.99999996E-13 : f32
    %max3A_791 = vector.broadcast %max3A_790 : f32 to vector<256x1xf32>
    %max3A_792 = arith.maximumf %sqrt3A_789, %max3A_791 : vector<256x1xf32>
    %div3A_793 = vector.broadcast %max3A_792 : vector<256x1xf32> to vector<256x256xf32>
    %div3A_794 = arith.divf %add3A_784, %div3A_793 : vector<256x256xf32>
    %mul3A_795 = arith.mulf %div3A_782, %div3A_782 : vector<256x256xf32>
    %reduce_sum3A_796 = arith.constant dense<0.000000e+00> : vector<256xf32>
    %reduce_sum3A_797 = vector.multi_reduction <add>, %mul3A_795, %reduce_sum3A_796 [1] : vector<256x256xf32> to vector<256xf32>
    %broadcast_in_dim3A_798 = vector.shape_cast %reduce_sum3A_797 : vector<256xf32> to vector<256x1xf32>
    %sqrt3A_799 = math.sqrt %broadcast_in_dim3A_798 : vector<256x1xf32>
    %mul3A_800 = arith.mulf %div3A_794, %div3A_794 : vector<256x256xf32>
    %reduce_sum3A_801 = arith.constant dense<0.000000e+00> : vector<256xf32>
    %reduce_sum3A_802 = vector.multi_reduction <add>, %mul3A_800, %reduce_sum3A_801 [1] : vector<256x256xf32> to vector<256xf32>
    %broadcast_in_dim3A_803 = vector.shape_cast %reduce_sum3A_802 : vector<256xf32> to vector<256x1xf32>
    %sqrt3A_804 = math.sqrt %broadcast_in_dim3A_803 : vector<256x1xf32>
    %mul3A_805 = arith.mulf %div3A_782, %div3A_794 : vector<256x256xf32>
    %reduce_sum3A_806 = arith.constant dense<0.000000e+00> : vector<256xf32>
    %reduce_sum3A_807 = vector.multi_reduction <add>, %mul3A_805, %reduce_sum3A_806 [1] : vector<256x256xf32> to vector<256xf32>
    %broadcast_in_dim3A_808 = vector.shape_cast %reduce_sum3A_807 : vector<256xf32> to vector<256x1xf32>
    %mul3A_809 = arith.mulf %sqrt3A_799, %sqrt3A_804 : vector<256x1xf32>
    %max3A_810 = arith.constant 9.99999993E-9 : f32
    %max3A_811 = vector.broadcast %max3A_810 : f32 to vector<256x1xf32>
    %max3A_812 = arith.maximumf %mul3A_809, %max3A_811 : vector<256x1xf32>
    %div3A_813 = arith.divf %broadcast_in_dim3A_808, %max3A_812 : vector<256x1xf32>
    %mul3A_814 = arith.constant 5.000000e-01 : f32
    %mul3A_815 = vector.broadcast %mul3A_814 : f32 to vector<256x1xf32>
    %mul3A_816 = arith.mulf %mul3A_759, %mul3A_815 : vector<256x1xf32>
    %add3A_817 = arith.constant 1.000000e+00 : f32
    %add3A_818 = vector.broadcast %add3A_817 : f32 to vector<256x1xf32>
    %add3A_819 = arith.addf %add3A_818, %div3A_813 : vector<256x1xf32>
    %mul3A_820 = arith.mulf %mul3A_816, %add3A_819 : vector<256x1xf32>
    %jit3A = arith.constant 0.000000e+00 : f32
    %jit3A_821 = arith.constant 1.000000e+00 : f32
    %max3A_822 = vector.broadcast %jit3A : f32 to vector<256x1xf32>
    %max3A_823 = arith.maximumf %max3A_822, %mul3A_820 : vector<256x1xf32>
    %min3A = vector.broadcast %jit3A_821 : f32 to vector<256x1xf32>
    %min3A_824 = arith.minimumf %min3A, %max3A_823 : vector<256x1xf32>
    %broadcast_in_dim3A_825 = vector.shape_cast %min3A_824 : vector<256x1xf32> to vector<256x1xf32>
    %broadcast_in_dim3A_826 = vector.broadcast %broadcast_in_dim3A_825 : vector<256x1xf32> to vector<256x8xf32>
    %swap3A_827 = arith.constant 0 : index
    %swap3A_828 = arith.constant 0 : index
    %swap3A_829 = vector.load %arg11[%swap3A_827, %swap3A_828] : memref<256x8xf32, #tpu.memory_space<vmem>>, vector<256x8xf32>
    tpu.vector_store %arg11[%swap3A_827, %swap3A_828], %broadcast_in_dim3A_826 {strides = array<i32>} : memref<256x8xf32, #tpu.memory_space<vmem>>, vector<256x8xf32>,
    return
  }
  func.func @transform_0(%arg0: i32) -> (i32, i32) {
    %c0_i32 = arith.constant 0 : i32
    %c0_i32_0 = arith.constant 0 : i32
    return %arg0, %c0_i32 : i32, i32
  }
  func.func @transform_1(%arg0: i32) -> (i32, i32) {
    %c0_i32 = arith.constant 0 : i32
    %c0_i32_0 = arith.constant 0 : i32
    return %arg0, %c0_i32 : i32, i32
  }
  func.func @transform_2(%arg0: i32) -> (i32, i32) {
    %c0_i32 = arith.constant 0 : i32
    %c0_i32_0 = arith.constant 0 : i32
    return %arg0, %c0_i32 : i32, i32
  }
  func.func @transform_3(%arg0: i32) -> (i32, i32) {
    %c0_i32 = arith.constant 0 : i32
    %c0_i32_0 = arith.constant 0 : i32
    %c0_i32_1 = arith.constant 0 : i32
    return %c0_i32, %c0_i32_0 : i32, i32
  }
  func.func @transform_4(%arg0: i32) -> (i32, i32) {
    %c0_i32 = arith.constant 0 : i32
    %c0_i32_0 = arith.constant 0 : i32
    %c0_i32_1 = arith.constant 0 : i32
    return %c0_i32, %c0_i32_0 : i32, i32
  }
  func.func @transform_5(%arg0: i32) -> (i32, i32) {
    %c0_i32 = arith.constant 0 : i32
    %c0_i32_0 = arith.constant 0 : i32
    %c0_i32_1 = arith.constant 0 : i32
    return %c0_i32, %c0_i32_0 : i32, i32
  }
  func.func @transform_6(%arg0: i32) -> (i32, i32) {
    %c0_i32 = arith.constant 0 : i32
    %c0_i32_0 = arith.constant 0 : i32
    %c0_i32_1 = arith.constant 0 : i32
    return %c0_i32, %c0_i32_0 : i32, i32
  }
  func.func @transform_7(%arg0: i32) -> (i32, i32) {
    %c0_i32 = arith.constant 0 : i32
    %c0_i32_0 = arith.constant 0 : i32
    %c0_i32_1 = arith.constant 0 : i32
    return %c0_i32, %c0_i32_0 : i32, i32
  }
  func.func @transform_8(%arg0: i32) -> (i32, i32) {
    %c0_i32 = arith.constant 0 : i32
    %c0_i32_0 = arith.constant 0 : i32
    return %arg0, %c0_i32 : i32, i32
  }
  func.func @transform_9(%arg0: i32) -> (i32, i32) {
    %c0_i32 = arith.constant 0 : i32
    %c0_i32_0 = arith.constant 0 : i32
    return %arg0, %c0_i32 : i32, i32
  }
  func.func @transform_10(%arg0: i32) -> (i32, i32) {
    %c0_i32 = arith.constant 0 : i32
    %c0_i32_0 = arith.constant 0 : i32
    return %arg0, %c0_i32 : i32, i32
  }
  func.func @transform_11(%arg0: i32) -> (i32, i32) {
    %c0_i32 = arith.constant 0 : i32
    %c0_i32_0 = arith.constant 0 : i32
    return %arg0, %c0_i32 : i32, i32
  }
}

</mosaic_0001>

<sc_bundles>
// kernel: sparse-core-data-format-call.cloned.1.call-start
scs
called_computation_lowered:
.L_overlay_start_0:
0x0: {  	s2 =	sld [smem:$0x3FD9]  }
0x1: {  	s3 =	sld [smem:$0x3FFE];
	_ =	sdelay $0x1  }
0x2: {  	s1 =	srdreg.scid  }
0x3: {  	s0 =	sand.u32 $0x1, s1  }
0x4: {  	s15 =	sshll.u32 s0, $0xA;
	s2 =	sadd.s32 s3, s2  }
0x5: {  	s2 =	sadd.s32 s2, s15  }
0x6: {  	[smem:$0x3FC1] =	sst s2  }
0x7: {  	_ = 	snop  }
0x8: {  	s2 =	sld [smem:$0x3FD0];
	_ =	sdelay $0x2  }
0x9: {  	s16 =	simm.s32 $0xA;
	s4 =	simm.s32 $0x10  }
0xa: {  	[smem:s4], [sflag:s16] =	dma.local [hbm:s2], $0x1  }
0xb: {  	_ =	swait.eq [sflag:s16], $0x1  }
0xc: {  	[sflag:s16] =	ssyncset.done $0x0  }
0xd: {  	[sflag:s16] =	ssyncadd.s32 $0xFFFFFFFF  }
0xe: {  	s17 =	sld [smem:$0x13];
	(tm) =	ssettm $0x1  }
0xf: {  	s18 =	sld [smem:$0x3FFB];
	_ =	sdelay $0x3  }
0x10: {  	_ =	strace s18  }
0x11: {  	s3 =	sld [smem:$0x3FFC];
	_ =	sdelay $0x3  }
0x12: {  	_ =	strace s3  }
0x13: {  	s3 =	sld [smem:$0x3FFD];
	_ =	sdelay $0x3  }
0x14: {  	_ =	strace s3  }
0x15: {  	_ =	strace $0x8FFFFFFF  }
0x16: {  	s19 =	sld [smem:$0x3FDB];
	_ =	sdelay $0x1  }
0x17: {  	s20 =	simm.s32 $_scs_section_size  }
0x18: {  	s5 =	simm.s32 $_size__tile_overlayer_lowered;
	s6 =	simm.s32 $_tile_overlayer_lowered  }
0x19: {  	s23 =	simm.s32 $0x1BFF;
	s22 =	sshll.u32 s6, $0x1;
	s3 =	sadd.s32 s20, s19  }
0x1a: {  	s7 =	simm.s32 $0x0;
	s21 =	sshll.u32 s5, $0x1;
	s5 =	sadd.s32 s22, s3  }
0x1b: {  	[timem:s7], [sflag:s23] =	dma.local [hbm:s5], s21  }
0x1c: {  	_ =	swait.ge [sflag:s23], s21  }
0x1d: {  	s4 =	ssub.s32 $0x0, s21;
	[sflag:s23] =	ssyncset.done $0x0  }
0x1e: {  	[sflag:s23] =	ssyncadd.s32 s4;
	_ =	sdelay $0x1  }
0x1f: {  	s24 =	simm.s32 $0x1B8B  }
0x20: {  	_ =	swait.ge [sflag:s24], $0x1  }
0x21: {  	[sflag:s24] =	ssyncset.done $0x0  }
0x22: {  	s26 =	simm.s32 $0x1B8E;
	s25 =	sld [smem:$0x3FFE];
	[sflag:s24] =	ssyncadd.s32 $0xFFFFFFFF  }
0x23: {  	s27 =	simm.s32 $execute0_lowered;
	[smem:$0x3FD2] =	sst s26  }
0x24: {  	s5 =	sshll.u32 s27, $0x1;
	_ =	strace $0x80000046;
	[dreg:$0x1] =	wrdreg $0xFFFFFFFF  }
0x25: {  	s28 =	simm.s32 $_size_execute0_lowered;
	s3 =	sadd.s32 s3, s5;
	[dreg:$0x0] =	wrdreg $0x0  }
0x26: {  	s5 =	sshll.u32 s28, $0x1;
	[dreg:$0x2] =	wrdreg s3  }
0x27: {  	[dreg:$0x3] =	wrdreg s5  }
0x28: {  	[dreg:$0x4] =	wrdreg $0xC0  }
0x29: {  	_ =	task [dreg:s7], $0x5FFFF  }
0x2a: {  	[dreg:$0x1] =	wrdreg $0xFFFFFFFF  }
0x2b: {  	[dreg:$0x0] =	wrdreg $0x60  }
0x2c: {  	[dreg:$0x2] =	wrdreg s25  }
0x2d: {  	[dreg:$0x3] =	wrdreg s17  }
0x2e: {  	[dreg:$0x4] =	wrdreg $0x9  }
0x2f: {  	_ =	task.clear_ibuf [dreg:s7], $0x5FFFF;
	_ =	strace $0x90000046  }
0x30: {  	s29 =	simm.s32 $0x9;
	_ =	strace $0x80000048  }
0x31: {  	_ =	swait.ge [sflag:s29], $0x1  }
0x32: {  	[sflag:s29] =	ssyncadd.s32 $0xFFFFFFFF  }
0x33: {  	_ =	strace $0x90000048  }
0x34: {  	_ =	sfence  }
0x35: {  	s30 =	sld [smem:$0x0];
	_ =	sdelay $0x2  }
0x36: {  	s31 =	sshll.u32 s1, $0xD;
	s1 =	sshrl.u32 s1, $0x2  }
0x37: {  	s3 =	sand.u32 $0x4000, s31;
	s1 =	sadd.s32 s1, s30  }
0x38: {  	s0 =	sor.u32 s3, s0;
	s1 =	sshll.u32 s1, $0x11  }
0x39: {  	s0 =	sor.u32 s1, s0  }
0x3a: {  	s0 =	sadd.s32 $0x8F2B, s0  }
0x3b: {  	[sflag:s0] =	ssyncadd.remote.s32 $0x1  }
0x3c: {  	_ =	sfence.sel $0xFFFF  }
0x3d: {  	[dreg:$0x0] =	wrdreg $0xFFFFFFFF;
	(pc) =	sbr.abs _section_cstart, $3  }
0x3e: {  	[dreg:$0x1] =	wrdreg $0xFFFFFFFF  }
0x3f: {  	_ =	task.clear_ibuf [dreg:s7], $0x2FFFF;
	_ =	strace $0x9FFFFFFF  }
0x40: {  	(tm) =	ssettm $0x7FFFFFFF  }
0x41: {  	_ =	shalt  }
tec
execute0_lowered:
.L_overlay_start_1:
0x0: {  	(tag) =	ssettag $0x1  }
0x1: {  	s1 =	rddreg [dreg:$0x0]  }
0x2: {  	s2 =	rddreg [dreg:$0x1]  }
0x3: {  	s0 =	rddreg [dreg:$0x2];
	_ =	strace $0x80000047;
	s4 =	srdreg.scid  }
0x4: {  	s6 =	simm.s32 $0x2;
	s11 =	simm.s32 $0x0;
	p0 =	por $0x0, $0x0  }
.Ltmp0:
0x5: {  	s7 =	simm.s32 $0x2000;
	s12 =	simm.s32 $0x0;
	(pc) =	sbr.rel .LBB1_1-.Ltmp0, $4  }
0x6: {  	s9 =	simm.s32 $0x0;
	s3 =	sadd.s32 $0xC00, s1;
	s5 =	sshll.u32 s4, $0x4  }
0x7: {  	s1 =	stileid.u32;
	s4 =	simm.s32 $0x1;
	s5 =	sand.u32 $0x10, s5  }
0x8: {  	s8 =	simm.s32 $0x0;
	[sflag:s4] =	ssyncpa.u1 $0x0;
	s5 =	sor.u32 s1, s5  }
0x9: {  	[sflag:s6] =	ssyncpa.u1 $0x0;
	s6 =	simm.s32 $0x800;
	s10 =	smov.u32 s5  }
.LBB1_7:
0xa: {  	s13 =	sadd.s32 $0x10, s9  }
0xb: {  	s11 =	sadd.s32 $0x20, s10;
	s15 =	smov.u32 s10;
	p2 =	sgt.s32 s13, $0x3F  }
0xc: {  	p1 =	slt.u32 s8, $0x2;
	s15 =	smov.u32 @p2 s11  }
0xd: {  	s8 =	sadd.s32 $0x1, s8;
	s13 =	simm.s32 @p2 $0x0;
	p2 =	sgt.s32 s15, $0x1FF  }
0xe: {  	s15 =	smov.u32 @p2 s5;
	p2 =	sne.s32 s8, $0x42  }
.Ltmp1:
0xf: {  	_ = 	snop;
	(pc) =	sbr.rel @!p2 .LBB1_8-.Ltmp1, $4  }
0x10: {  	s14 =	simm.s32 @!p1 $0x2  }
0x11: {  	s12 =	smov.u32 s10;
	_ =	swait.ge @!p1 [sflag:s14], $0x4000  }
0x12: {  	p0 =	por !p0, !p0;
	s11 =	smov.u32 s9;
	[sflag:s14] =	ssyncset.done @!p1 $0x0  }
0x13: {  	s9 =	smov.u32 s13;
	[sflag:s14] =	ssyncadd.s32 @!p1 $0xFFFFC000;
	s10 =	smov.u32 s15  }
.LBB1_1:
0x14: {  	p1 =	sgt.u32 s8, $0x3F  }
0x15: {  	s13 =	sxor.u32 @!p1 $0xFFFFFFFF, s8;
	s14 =	sshll.u32 @!p1 s10, $0xD  }
0x16: {  	s15 =	sshll.u32 @!p1 s9, $0x7;
	s13 =	sshll.u32 @!p1 s13, $0xE;
	s14 =	sadd.s32 @!p1 s3, s14  }
0x17: {  	s13 =	sand.u32 @!p1 $0x4000, s13;
	s14 =	sadd.s32 @!p1 s15, s14;
	s15 =	simm.s32 @!p1 $0x0  }
0x18: {  	[tilespmem:s13], [sflag:$0x1] =	stream.linear.gather @!p1 [hbm4b:s14+s15], $0x4000, $0x38;
	[tilespmem:$0x10000] =	vst v63  }
0x19: {  	p1 =	seq.s32 s8, $0x0  }
0x1a: {  	p2 =	seq.s32 @!p1 s8, $0x41  }
0x1b: {  	p1 =	por p1, p2  }
.Ltmp2:
0x1c: {  	_ = 	snop;
	(pc) =	sbr.rel @p1 .LBB1_7-.Ltmp2, $1  }
0x1d: {  	_ =	sdelay $0x3  }
0x1e: {  	s13 =	simm.s32 $0x1;
	_ =	swait.ge [sflag:s4], $0x4000;
	s16 =	sshll.u32 s8, $0xE  }
0x1f: {  	s13 =	simm.s32 @!p0 $0x0;
	[sflag:s4] =	ssyncset.done $0x0;
	s31 =	sand.u32 $0x4000, s16  }
0x20: {  	s16 =	simm.s32 $0x0;
	s14 =	sshll.u32 s13, $0xE;
	[sflag:s4] =	ssyncadd.s32 $0xFFFFC000  }
0x21: {  	s13 =	sor.u32 $0x8040, s14;
	s15 =	sor.u32 $0x40, s14;
	s14 =	sor.u32 $0x8000, s31  }
.LBB1_3:
0x22: {  	v0 =	vmov s15;
	_ =	sdelay $0x3  }
0x23: {  	s18 =	simm.s32 $0x0  }
0x24: {  	v6 =	vld.idx.msk [tilespmem:v0+s18+$0x30 ss:$0x1], $0xffff  }
0x25: {  	v7 =	vld.idx.msk [tilespmem:v0+s18+$0xFFFFFFC0 ss:$0x1], $0xffff  }
0x26: {  	v5 =	vld.idx.msk [tilespmem:v0+s18+$0xFFFFFFD0 ss:$0x1], $0xffff  }
0x27: {  	v4 =	vld.idx.msk [tilespmem:v0+s18+$0xFFFFFFE0 ss:$0x1], $0xffff  }
0x28: {  	v3 =	vld.idx.msk [tilespmem:v0+s18+$0xFFFFFFF0 ss:$0x1], $0xffff  }
0x29: {  	v1 =	vld.idx.msk [tilespmem:v0+s18+$0x0 ss:$0x1], $0xffff  }
0x2a: {  	v2 =	vld.idx.msk [tilespmem:v0+s18+$0x10 ss:$0x1], $0xffff;
	[tilespmem:s13+$0x30] =	vst v6  }
0x2b: {  	s17 =	simm.s32 $0x80;
	s19 =	simm.s32 $0x400;
	[tilespmem:s13+$0xFFFFFFC0] =	vst v7;
	v6 =	vld.idx.msk [tilespmem:v0+s18+$0x20 ss:$0x1], $0xffff;
	s18 =	smov.u32 s13  }
.LBB1_4:
0x2c: {  	p1 =	sne.s32 s19, $0xE00;
	v7 =	vld.idx.msk [tilespmem:v0+s17+$0x30 ss:$0x1], $0xffff;
	[tilespmem:s18+$0xFFFFFFD0] =	vst v5  }
0x2d: {  	v8 =	vld.idx.msk [tilespmem:v0+s17+$0xFFFFFFC0 ss:$0x1], $0xffff;
	[tilespmem:s18+$0xFFFFFFE0] =	vst v4  }
0x2e: {  	v5 =	vld.idx.msk [tilespmem:v0+s17+$0xFFFFFFD0 ss:$0x1], $0xffff;
	[tilespmem:s18+$0xFFFFFFF0] =	vst v3  }
.Ltmp3:
0x2f: {  	v4 =	vld.idx.msk [tilespmem:v0+s17+$0xFFFFFFE0 ss:$0x1], $0xffff;
	[tilespmem:s18+$0x0] =	vst v1;
	(pc) =	sbr.rel @p1 .LBB1_4-.Ltmp3, $4  }
0x30: {  	v3 =	vld.idx.msk [tilespmem:v0+s17+$0xFFFFFFF0 ss:$0x1], $0xffff;
	[tilespmem:s18+$0x10] =	vst v2  }
0x31: {  	v1 =	vld.idx.msk [tilespmem:v0+s17+$0x0 ss:$0x1], $0xffff;
	[tilespmem:s18+$0x20] =	vst v6;
	s18 =	sadd.s32 $0x800, s18  }
0x32: {  	v2 =	vld.idx.msk [tilespmem:v0+s17+$0x10 ss:$0x1], $0xffff;
	[tilespmem:s18+$0x30] =	vst v7  }
0x33: {  	[tilespmem:s18+$0xFFFFFFC0] =	vst v8;
	v6 =	vld.idx.msk [tilespmem:v0+s17+$0x20 ss:$0x1], $0xffff;
	s17 =	sshra.s32 s19, $0x2;
	s19 =	sadd.s32 $0x200, s19  }
0x34: {  	_ =	sdelay $0x2  }
0x35: {  	[tilespmem:s18+$0xFFFFFFD0] =	vst v5  }
0x36: {  	v56 =	vld.idx.msk [tilespmem:v0+s17+$0x30 ss:$0x1], $0xffff;
	[tilespmem:s18+$0xFFFFFFE0] =	vst v4  }
0x37: {  	v57 =	vld.idx.msk [tilespmem:v0+s17+$0xFFFFFFC0 ss:$0x1], $0xffff;
	[tilespmem:s18+$0xFFFFFFF0] =	vst v3  }
0x38: {  	v58 =	vld.idx.msk [tilespmem:v0+s17+$0xFFFFFFD0 ss:$0x1], $0xffff;
	[tilespmem:s18+$0x0] =	vst v1  }
0x39: {  	v59 =	vld.idx.msk [tilespmem:v0+s17+$0xFFFFFFE0 ss:$0x1], $0xffff;
	[tilespmem:s18+$0x10] =	vst v2  }
0x3a: {  	v60 =	vld.idx.msk [tilespmem:v0+s17+$0xFFFFFFF0 ss:$0x1], $0xffff;
	s31 =	sadd.s32 $0x800, s18;
	[tilespmem:s18+$0x20] =	vst v6  }
0x3b: {  	v61 =	vld.idx.msk [tilespmem:v0+s17+$0x0 ss:$0x1], $0xffff;
	[tilespmem:s31+$0x30] =	vst v56  }
0x3c: {  	v62 =	vld.idx.msk [tilespmem:v0+s17+$0x10 ss:$0x1], $0xffff;
	s16 =	sadd.s32 $0x1, s16;
	[tilespmem:s31+$0xFFFFFFC0] =	vst v57  }
0x3d: {  	v63 =	vld.idx.msk [tilespmem:v0+s17+$0x20 ss:$0x1], $0xffff;
	p1 =	sne.s32 s16, $0x10;
	[tilespmem:s31+$0xFFFFFFD0] =	vst v58  }
.Ltmp4:
0x3e: {  	[tilespmem:s31+$0xFFFFFFE0] =	vst v59;
	(pc) =	sbr.rel @p1 .LBB1_3-.Ltmp4, $4  }
0x3f: {  	[tilespmem:s31+$0xFFFFFFF0] =	vst v60  }
0x40: {  	[tilespmem:s31+$0x0] =	vst v61  }
0x41: {  	[tilespmem:s31+$0x10] =	vst v62  }
0x42: {  	s13 =	sadd.s32 $0x80, s13;
	s15 =	sadd.s32 $0x400, s15;
	[tilespmem:s31+$0x20] =	vst v63  }
.Ltmp5:
0x43: {  	(pc) =	sbr.rel .LBB1_7-.Ltmp5, $4  }
0x44: {  	s12 =	sshll.u32 s12, $0xD;
	s11 =	sshll.u32 s11, $0x4  }
0x45: {  	s11 =	sand.u32 $0x3F0, s11;
	s12 =	sadd.s32 s2, s12  }
0x46: {  	s11 =	sadd.s32 s11, s12  }
0x47: {  	[hbm4b:s11+s6] =	stream.strided.scatter [tilespmem:s14], [sflag:$0x2], $0x4000, s7, s6, $0x38;
	[tilespmem:$0x10000] =	vst v63  }
.LBB1_8:
0x48: {  	_ =	sfence.sel $0x180000  }
0x49: {  	s2 =	simm.s32 $0x1;
	[bflag:$0x0] =	sbarrier.arrive $0xFFFF  }
0x4a: {  	s31 =	simm.s32 $0x2;
	[sflag:s2] =	ssyncpa.u1 $0x1  }
0x4b: {  	[sflag:s31] =	ssyncpa.u1 $0x1  }
0x4c: {  	p0 =	sne.s32 s1, $0x0;
	_ =	strace $0x90000047  }
0x4d: {  	s0 =	sadd.s32 @!p0 $0x100000, s0;
	[bflag:$0x2] =	sbarrier.arrive $0xFFFF  }
0x4e: {  	[sflag:s0] =	ssyncadd.tile.s32 @!p0 $0x1;
	_ =	shalt  }
.Lfunc_end1:
_tile_overlayer_lowered:
.L_overlay_start_2:
0x4f: {  	(tag) =	ssettag $0x2  }
0x50: {  	s0 =	rddreg [dreg:$0x0];
	s2 =	stileid.u32  }
0x51: {  	s1 =	rddreg [dreg:$0x1];
	p0 =	sne.s32 s2, $0x0  }
0x52: {  	s3 =	rddreg [dreg:$0x2];
	[bflag:$0x3] =	sbarrier.arrive $0xFFFF;
	s2 =	simm.s32 @!p0 $0x1C01  }
0x53: {  	[timem:s3], [sflag:s2] =	dma.local @!p0 [hbm:s0], s1  }
0x54: {  	s0 =	simm.s32 @!p0 $0x1  }
0x55: {  	_ =	swait.ge @!p0 [sflag:s0], s1  }
0x56: {  	s1 =	ssub.s32 @!p0 $0x0, s1;
	[sflag:s0] =	ssyncset.done @!p0 $0x0  }
0x57: {  	[sflag:s0] =	ssyncadd.s32 @!p0 s1  }
0x58: {  	[bflag:$0x3] =	sbarrier.arrive $0xFFFF  }
0x59: {  	_ =	shalt  }

</sc_bundles>
